<compile_context>
chip_gen: v7x
topology: tpu7x:2x2x1
jax: 0.10.2.dev20260603
libtpu: 0.0.44.dev20260713+nightly
codegen_flags: <defaults>
</compile_context>

<pallas_src>
import jax
import jax.numpy as jnp
from jax import lax
from jax.experimental import pallas as pl
from jax.experimental.pallas import tpu as pltpu
from jax.experimental.pallas import tpu_sc as plsc

MODEL_DIM = 768
HIDDEN_DIM = 3072
NUM_EXPERTS = 8
TOP_K = 2
SEQ = 2048

NC, NS, L = 2, 16, 16
NW = NC * NS
CHUNK = SEQ // NW
NCELL = NUM_EXPERTS * TOP_K
LPAD = 128
ROWBLK = 256
NH = 8
HBLK = HIDDEN_DIM // NH


def _gate_kernel(x_ref, gw_ref, gb_ref, lt_ref):
    logits = jax.lax.dot_general(
        x_ref[...].astype(jnp.bfloat16), gw_ref[...].astype(jnp.bfloat16),
        (((1,), (1,)), ((), ())),
        preferred_element_type=jnp.float32) + gb_ref[...]
    lt_ref[...] = jnp.concatenate(
        [logits, jnp.full((SEQ, LPAD - NUM_EXPERTS), -jnp.inf, jnp.float32)],
        axis=1)


def _routing_kernel(lt_hbm, p_hbm, chunk_v, vec_v):
    cid = lax.axis_index("c")
    sid = lax.axis_index("s")
    wid = cid * NS + sid
    base = wid * CHUNK
    pltpu.sync_copy(lt_hbm.at[pl.ds(base, CHUNK)], chunk_v)

    iota = lax.iota(jnp.int32, L)
    ninf = jnp.full((L,), -jnp.inf, jnp.float32)

    def tok(t, bv):
        v = chunk_v[t, pl.ds(0, L)]
        m1 = v[0]
        i1 = jnp.int32(0)
        m2 = -jnp.inf
        i2 = jnp.int32(0)
        for e in range(1, NUM_EXPERTS):
            le = v[e]
            b1 = le > m1
            b2 = le > m2
            m2n = jnp.where(b1, m1, jnp.where(b2, le, m2))
            i2n = jnp.where(b1, i1, jnp.where(b2, e, i2))
            m1 = jnp.where(b1, le, m1)
            i1 = jnp.where(b1, e, i1)
            m2, i2 = m2n, i2n
        bv = jnp.where(iota == i1, jnp.full((L,), m1, jnp.float32), bv)
        bv = jnp.where(iota == NUM_EXPERTS + i2,
                       jnp.full((L,), m2, jnp.float32), bv)
        return bv

    bv = jax.lax.fori_loop(0, CHUNK, tok, ninf)

    vec_v[...] = bv
    pltpu.sync_copy(vec_v, p_hbm.at[wid])


def _expert_kernel(x8_ref, fc1_w_ref, fc1_b_ref, fc2_w_ref, fc2_b_ref,
                   y_ref, nan_ref, h_s, y_s):
    g = pl.program_id(0)
    nan_ref[...] = jnp.full((ROWBLK, MODEL_DIM), jnp.nan, dtype=jnp.float32)

    @pl.when(g < NH)
    def _():
        for e in range(TOP_K):
            h = jax.lax.dot_general(
                x8_ref[...].astype(jnp.bfloat16),
                fc1_w_ref[e].astype(jnp.bfloat16), (((1,), (1,)), ((), ())),
                preferred_element_type=jnp.float32) + fc1_b_ref[e:e + 1, :]
            h_s[e, :, g, :] = h * jax.nn.sigmoid(h)

    @pl.when(g >= 1)
    def _():
        for e in range(TOP_K):
            part = jax.lax.dot_general(
                h_s[e, :, g - 1, :].astype(jnp.bfloat16),
                fc2_w_ref[e].astype(jnp.bfloat16), (((1,), (1,)), ((), ())),
                preferred_element_type=jnp.float32)
            prev = jnp.where(g == 1, jnp.broadcast_to(
                fc2_b_ref[e:e + 1, :], (NUM_EXPERTS, MODEL_DIM)), y_s[e])
            y_s[e] = prev + part

    @pl.when(g == NH)
    def _():
        y_ref[...] = y_s[...]


def _combine_kernel(cell_ref, y_ref, nan_in_ref, out_ref):
    E = NUM_EXPERTS
    cells = cell_ref[0:1, :]
    for r in range(1, NW):
        rv = cell_ref[r:r + 1, :]
        cells = jnp.where(rv > -jnp.inf, rv, cells)
    v0 = cells[0:1, 0:E]
    v1 = cells[0:1, E:2 * E]
    m = jnp.maximum(v0, v1)
    e0 = jnp.exp(v0 - m)
    e1 = jnp.exp(v1 - m)
    denom = e0 + e1
    p0 = e0 / denom
    p1 = e1 / denom

    eye = (jax.lax.broadcasted_iota(jnp.int32, (E, E), 0) ==
           jax.lax.broadcasted_iota(jnp.int32, (E, E), 1))
    d0 = jnp.where(eye, jnp.broadcast_to(p0, (E, E)), 0.0)
    d1 = jnp.where(eye, jnp.broadcast_to(p1, (E, E)), 0.0)
    out_ref[...] = (
        jax.lax.dot_general(d0, y_ref[0], (((1,), (0,)), ((), ())),
                            preferred_element_type=jnp.float32) +
        jax.lax.dot_general(d1, y_ref[1], (((1,), (0,)), ((), ())),
                            preferred_element_type=jnp.float32))


@jax.jit
def kernel(x, fc1_w, fc1_b, fc2_w, fc2_b, gate_w, gate_b):
    B, S, D = x.shape
    x2 = x.reshape(S, D)

    logits_pad = pl.pallas_call(
        _gate_kernel,
        out_shape=jax.ShapeDtypeStruct((S, LPAD), jnp.float32),
    )(x2, gate_w, gate_b.reshape(1, NUM_EXPERTS))

    y01, out_nan = pl.pallas_call(
        _expert_kernel,
        grid=(NH + 1,),
        in_specs=[
            pl.BlockSpec((NUM_EXPERTS, D), lambda g: (0, 0)),
            pl.BlockSpec((TOP_K, HBLK, D),
                         lambda g: (0, jnp.minimum(g, NH - 1), 0)),
            pl.BlockSpec((NUM_EXPERTS, HBLK),
                         lambda g: (0, jnp.minimum(g, NH - 1))),
            pl.BlockSpec((TOP_K, D, HBLK),
                         lambda g: (0, 0, jnp.maximum(g - 1, 0))),
            pl.BlockSpec((NUM_EXPERTS, D), lambda g: (0, 0)),
        ],
        out_specs=(
            pl.BlockSpec((TOP_K, NUM_EXPERTS, D), lambda g: (0, 0, 0)),
            pl.BlockSpec((ROWBLK, D), lambda g: (jnp.maximum(g - 1, 0), 0)),
        ),
        out_shape=(
            jax.ShapeDtypeStruct((TOP_K, NUM_EXPERTS, D), jnp.float32),
            jax.ShapeDtypeStruct((S, D), jnp.float32),
        ),
        scratch_shapes=[
            pltpu.VMEM((TOP_K, NUM_EXPERTS, NH, HBLK), jnp.float32),
            pltpu.VMEM((TOP_K, NUM_EXPERTS, D), jnp.float32),
        ],
    )(x2, fc1_w, fc1_b, fc2_w, fc2_b)

    mesh = plsc.VectorSubcoreMesh(core_axis_name="c", subcore_axis_name="s")
    cells = pl.kernel(
        _routing_kernel,
        mesh=mesh,
        out_type=jax.ShapeDtypeStruct((NW, NCELL), jnp.float32),
        scratch_types=[
            pltpu.VMEM((CHUNK, LPAD), jnp.float32),
            pltpu.VMEM((NCELL,), jnp.float32),
        ],
    )(logits_pad)

    out = pl.pallas_call(
        _combine_kernel,
        grid=(1,),
        in_specs=[
            pl.BlockSpec((NW, NCELL), lambda i: (0, 0)),
            pl.BlockSpec((TOP_K, NUM_EXPERTS, D), lambda i: (0, 0, 0)),
            pl.BlockSpec((NUM_EXPERTS, D), lambda i: (0, 0)),
        ],
        out_specs=pl.BlockSpec((NUM_EXPERTS, D), lambda i: (0, 0)),
        out_shape=jax.ShapeDtypeStruct((S, D), jnp.float32),
        input_output_aliases={2: 0},
    )(cells, y01, out_nan)

    return out.reshape(B, S, D)

# --- scband reference (transcript-rebuilt; emitter-appended) ---
"""Pipeline reference for scband-mo-e-49993419325635 (READ-ONLY COPY).

The authoritative reference and input builder live on the scoring server;
editing this copy changes nothing except your own understanding.
"""

import jax, jax.numpy as jnp
import numpy as np

MODEL_DIM = 768
HIDDEN_DIM = 3072
NUM_EXPERTS = 8
TOP_K = 2
BATCH = 1
SEQ = 2048


def setup_inputs(seed: int = 0) -> dict:
    key = jax.random.key(seed)
    ks = jax.random.split(key, 8)
    x = jax.random.uniform(ks[0], (BATCH, SEQ, MODEL_DIM), dtype=jnp.float32)
    fc1_w = jax.random.normal(ks[1], (NUM_EXPERTS, HIDDEN_DIM, MODEL_DIM), dtype=jnp.float32) * 0.02
    fc1_b = jax.random.normal(ks[2], (NUM_EXPERTS, HIDDEN_DIM), dtype=jnp.float32) * 0.02
    fc2_w = jax.random.normal(ks[3], (NUM_EXPERTS, MODEL_DIM, HIDDEN_DIM), dtype=jnp.float32) * 0.02
    fc2_b = jax.random.normal(ks[4], (NUM_EXPERTS, MODEL_DIM), dtype=jnp.float32) * 0.02
    gate_w = jax.random.normal(ks[5], (NUM_EXPERTS, MODEL_DIM), dtype=jnp.float32) * 0.02
    gate_b = jax.random.normal(ks[6], (NUM_EXPERTS,), dtype=jnp.float32) * 0.02
    return {"x": x, "fc1_w": fc1_w, "fc1_b": fc1_b, "fc2_w": fc2_w, "fc2_b": fc2_b, "gate_w": gate_w, "gate_b": gate_b}


def reference(x, fc1_w, fc1_b, fc2_w, fc2_b, gate_w, gate_b):
    B, S, D = x.shape
    E = gate_w.shape[0]
    k = TOP_K
    # TopKGate
    gate_logits = jnp.einsum('bsd,ed->bse', x, gate_w) + gate_b  # [B,S,E]
    top_logits, top_idx = jax.lax.top_k(gate_logits, k)  # [B,S,k]
    full = jnp.full_like(gate_logits, -jnp.inf)
    # Faithful replication of torch scatter_ on dim=1 (as in original code):
    # full[b, top_idx[b,s,j], j] = top_logits[b,s,j]
    b_idx = jnp.broadcast_to(jnp.arange(B)[:, None, None], top_idx.shape)
    j_idx = jnp.broadcast_to(jnp.arange(k)[None, None, :], top_idx.shape)
    full = full.at[b_idx, top_idx, j_idx].set(top_logits)
    gate_scores = jax.nn.softmax(full, axis=-1)  # [B,S,E]
    # Experts: SwiGLU fc2(silu(fc1(x))) for each expert, stacked on dim 2
    h = jnp.einsum('bsd,ehd->bseh', x, fc1_w) + fc1_b  # [B,S,E,H]
    h = jax.nn.silu(h)
    expert_outputs = jnp.einsum('bseh,edh->bsed', h, fc2_w) + fc2_b  # [B,S,E,D]
    weighted = gate_scores[..., None] * expert_outputs
    return jnp.sum(weighted, axis=2)

if __name__ == "__main__":
    import jax
    _d = setup_inputs()
    print(jax.jit(kernel)(*tuple(_d.values())))

</pallas_src>

<mosaic_0001>
#map = affine_map<(d0, d1) -> (0, 0)>
module attributes {stable_mosaic.version = 14 : i64} {
  func.func @_routing_kernel(%arg0: i32, %arg1: i32, %arg2: memref<2048x128xf32, #tpu.memory_space<hbm>>, %arg3: memref<32x16xf32, #tpu.memory_space<hbm>>, %arg4: memref<64x128xf32, #tpu.memory_space<vmem>>, %arg5: memref<16xf32, #tpu.memory_space<vmem>>) attributes {dimension_semantics = [#tpu.dimension_semantics<core_parallel>, #tpu.dimension_semantics<subcore_parallel>], iteration_bounds = array<i64: 2, 16>, scalar_prefetch = 0 : i64, scratch_operands = 2 : i64, tpu.core_type = #tpu.core_type<sc_vector_subcore>, window_params = [{transform_indices = #map}, {transform_indices = #map}]} {
    %mul3A = arith.constant 16 : i32
    %mul3A_0 = arith.muli %arg0, %mul3A : i32
    %add3A = arith.addi %mul3A_0, %arg1 : i32
    %mul3A_1 = arith.constant 64 : i32
    %mul3A_2 = arith.muli %add3A, %mul3A_1 : i32
    "tpu.region"() ({
      %run_scoped3A = tpu.sem_alloc : memref<!tpu.dma_semaphore, #tpu.memory_space<semaphore_mem>>
      %dma_start3A = arith.constant 0 : i32
      %dma_start3A_12 = tpu.memref_slice %arg2[%mul3A_2, %dma_start3A] : memref<2048x128xf32, #tpu.memory_space<hbm>> -> memref<64x128xf32, #tpu.memory_space<hbm>>
      %dma_start3A_13 = arith.constant 0 : i32
      %dma_start3A_14 = tpu.memref_slice %arg2[%mul3A_2, %dma_start3A_13] : memref<2048x128xf32, #tpu.memory_space<hbm>> -> memref<64x128xf32, #tpu.memory_space<hbm>>
      tpu.enqueue_dma source(%dma_start3A_14 : memref<64x128xf32, #tpu.memory_space<hbm>>) target(%arg4 : memref<64x128xf32, #tpu.memory_space<vmem>>) target_semaphore(%run_scoped3A : memref<!tpu.dma_semaphore, #tpu.memory_space<semaphore_mem>>)
      %dma_wait3A = arith.constant 0 : i32
      %dma_wait3A_15 = tpu.memref_slice %arg2[%mul3A_2, %dma_wait3A] : memref<2048x128xf32, #tpu.memory_space<hbm>> -> memref<64x128xf32, #tpu.memory_space<hbm>>
      %dma_wait3A_16 = arith.constant 0 : i32
      %dma_wait3A_17 = tpu.memref_slice %arg2[%mul3A_2, %dma_wait3A_16] : memref<2048x128xf32, #tpu.memory_space<hbm>> -> memref<64x128xf32, #tpu.memory_space<hbm>>
      tpu.wait_dma2 semaphore(%run_scoped3A : memref<!tpu.dma_semaphore, #tpu.memory_space<semaphore_mem>>) src(%dma_wait3A_17 : memref<64x128xf32, #tpu.memory_space<hbm>>) dst(%arg4 : memref<64x128xf32, #tpu.memory_space<vmem>>)
      tpu.yield
    }) : () -> ()
    %iota3A = tpu.iota {dimensions = array<i32: 0>} : vector<16xi32>
    %broadcast_in_dim3A = arith.constant 0xFF800000 : f32
    %broadcast_in_dim3A_3 = vector.broadcast %broadcast_in_dim3A : f32 to vector<16xf32>
    %scan3A = arith.constant 0 : i32
    %scan3A_4 = arith.constant 64 : i32
    %scan3A_5 = arith.addi %scan3A, %scan3A_4 : i32
    %scan3A_6 = arith.constant 1 : i32
    %scan3A_7 = scf.for %scan3A_12 = %scan3A to %scan3A_5 step %scan3A_6 iter_args(%scan3A_13 = %broadcast_in_dim3A_3) -> (vector<16xf32>)  : i32 {
      %get3A = arith.index_cast %scan3A_12 : i32 to index
      %get3A_14 = arith.constant 0 : index
      %get3A_15 = tpu.vector_load %arg4[%get3A, %get3A_14] {strides = array<i32>} : memref<64x128xf32, #tpu.memory_space<vmem>>, vector<1x16xf32>,
      %get3A_16 = vector.shape_cast %get3A_15 : vector<1x16xf32> to vector<16xf32>
      %slice3A = vector.extract_strided_slice %get3A_16 {offsets = [0], sizes = [1], strides = [1]} : vector<16xf32> to vector<1xf32>
      %squeeze3A = vector.extract %slice3A[0] : f32 from vector<1xf32>
      %slice3A_17 = vector.extract_strided_slice %get3A_16 {offsets = [1], sizes = [1], strides = [1]} : vector<16xf32> to vector<1xf32>
      %squeeze3A_18 = vector.extract %slice3A_17[0] : f32 from vector<1xf32>
      %gt3A = arith.cmpf ogt, %squeeze3A_18, %squeeze3A : f32
      %gt3A_19 = arith.constant 0xFF800000 : f32
      %gt3A_20 = arith.cmpf ogt, %squeeze3A_18, %gt3A_19 : f32
      %jit3A = arith.constant 0xFF800000 : f32
      %select_n3A = arith.select %gt3A_20, %squeeze3A_18, %jit3A : f32
      %select_n3A_21 = arith.select %gt3A, %squeeze3A, %select_n3A : f32
      %jit3A_22 = arith.constant 1 : i32
      %jit3A_23 = arith.constant 0 : i32
      %select_n3A_24 = arith.select %gt3A_20, %jit3A_22, %jit3A_23 : i32
      %jit3A_25 = arith.constant 0 : i32
      %select_n3A_26 = arith.select %gt3A, %jit3A_25, %select_n3A_24 : i32
      %select_n3A_27 = arith.select %gt3A, %squeeze3A_18, %squeeze3A : f32
      %jit3A_28 = arith.constant 1 : i32
      %jit3A_29 = arith.constant 0 : i32
      %select_n3A_30 = arith.select %gt3A, %jit3A_28, %jit3A_29 : i32
      %slice3A_31 = vector.extract_strided_slice %get3A_16 {offsets = [2], sizes = [1], strides = [1]} : vector<16xf32> to vector<1xf32>
      %squeeze3A_32 = vector.extract %slice3A_31[0] : f32 from vector<1xf32>
      %gt3A_33 = arith.cmpf ogt, %squeeze3A_32, %select_n3A_27 : f32
      %gt3A_34 = arith.cmpf ogt, %squeeze3A_32, %select_n3A_21 : f32
      %select_n3A_35 = arith.select %gt3A_34, %squeeze3A_32, %select_n3A_21 : f32
      %select_n3A_36 = arith.select %gt3A_33, %select_n3A_27, %select_n3A_35 : f32
      %jit3A_37 = arith.constant 2 : i32
      %select_n3A_38 = arith.select %gt3A_34, %jit3A_37, %select_n3A_26 : i32
      %select_n3A_39 = arith.select %gt3A_33, %select_n3A_30, %select_n3A_38 : i32
      %select_n3A_40 = arith.select %gt3A_33, %squeeze3A_32, %select_n3A_27 : f32
      %jit3A_41 = arith.constant 2 : i32
      %select_n3A_42 = arith.select %gt3A_33, %jit3A_41, %select_n3A_30 : i32
      %slice3A_43 = vector.extract_strided_slice %get3A_16 {offsets = [3], sizes = [1], strides = [1]} : vector<16xf32> to vector<1xf32>
      %squeeze3A_44 = vector.extract %slice3A_43[0] : f32 from vector<1xf32>
      %gt3A_45 = arith.cmpf ogt, %squeeze3A_44, %select_n3A_40 : f32
      %gt3A_46 = arith.cmpf ogt, %squeeze3A_44, %select_n3A_36 : f32
      %select_n3A_47 = arith.select %gt3A_46, %squeeze3A_44, %select_n3A_36 : f32
      %select_n3A_48 = arith.select %gt3A_45, %select_n3A_40, %select_n3A_47 : f32
      %jit3A_49 = arith.constant 3 : i32
      %select_n3A_50 = arith.select %gt3A_46, %jit3A_49, %select_n3A_39 : i32
      %select_n3A_51 = arith.select %gt3A_45, %select_n3A_42, %select_n3A_50 : i32
      %select_n3A_52 = arith.select %gt3A_45, %squeeze3A_44, %select_n3A_40 : f32
      %jit3A_53 = arith.constant 3 : i32
      %select_n3A_54 = arith.select %gt3A_45, %jit3A_53, %select_n3A_42 : i32
      %slice3A_55 = vector.extract_strided_slice %get3A_16 {offsets = [4], sizes = [1], strides = [1]} : vector<16xf32> to vector<1xf32>
      %squeeze3A_56 = vector.extract %slice3A_55[0] : f32 from vector<1xf32>
      %gt3A_57 = arith.cmpf ogt, %squeeze3A_56, %select_n3A_52 : f32
      %gt3A_58 = arith.cmpf ogt, %squeeze3A_56, %select_n3A_48 : f32
      %select_n3A_59 = arith.select %gt3A_58, %squeeze3A_56, %select_n3A_48 : f32
      %select_n3A_60 = arith.select %gt3A_57, %select_n3A_52, %select_n3A_59 : f32
      %jit3A_61 = arith.constant 4 : i32
      %select_n3A_62 = arith.select %gt3A_58, %jit3A_61, %select_n3A_51 : i32
      %select_n3A_63 = arith.select %gt3A_57, %select_n3A_54, %select_n3A_62 : i32
      %select_n3A_64 = arith.select %gt3A_57, %squeeze3A_56, %select_n3A_52 : f32
      %jit3A_65 = arith.constant 4 : i32
      %select_n3A_66 = arith.select %gt3A_57, %jit3A_65, %select_n3A_54 : i32
      %slice3A_67 = vector.extract_strided_slice %get3A_16 {offsets = [5], sizes = [1], strides = [1]} : vector<16xf32> to vector<1xf32>
      %squeeze3A_68 = vector.extract %slice3A_67[0] : f32 from vector<1xf32>
      %gt3A_69 = arith.cmpf ogt, %squeeze3A_68, %select_n3A_64 : f32
      %gt3A_70 = arith.cmpf ogt, %squeeze3A_68, %select_n3A_60 : f32
      %select_n3A_71 = arith.select %gt3A_70, %squeeze3A_68, %select_n3A_60 : f32
      %select_n3A_72 = arith.select %gt3A_69, %select_n3A_64, %select_n3A_71 : f32
      %jit3A_73 = arith.constant 5 : i32
      %select_n3A_74 = arith.select %gt3A_70, %jit3A_73, %select_n3A_63 : i32
      %select_n3A_75 = arith.select %gt3A_69, %select_n3A_66, %select_n3A_74 : i32
      %select_n3A_76 = arith.select %gt3A_69, %squeeze3A_68, %select_n3A_64 : f32
      %jit3A_77 = arith.constant 5 : i32
      %select_n3A_78 = arith.select %gt3A_69, %jit3A_77, %select_n3A_66 : i32
      %slice3A_79 = vector.extract_strided_slice %get3A_16 {offsets = [6], sizes = [1], strides = [1]} : vector<16xf32> to vector<1xf32>
      %squeeze3A_80 = vector.extract %slice3A_79[0] : f32 from vector<1xf32>
      %gt3A_81 = arith.cmpf ogt, %squeeze3A_80, %select_n3A_76 : f32
      %gt3A_82 = arith.cmpf ogt, %squeeze3A_80, %select_n3A_72 : f32
      %select_n3A_83 = arith.select %gt3A_82, %squeeze3A_80, %select_n3A_72 : f32
      %select_n3A_84 = arith.select %gt3A_81, %select_n3A_76, %select_n3A_83 : f32
      %jit3A_85 = arith.constant 6 : i32
      %select_n3A_86 = arith.select %gt3A_82, %jit3A_85, %select_n3A_75 : i32
      %select_n3A_87 = arith.select %gt3A_81, %select_n3A_78, %select_n3A_86 : i32
      %select_n3A_88 = arith.select %gt3A_81, %squeeze3A_80, %select_n3A_76 : f32
      %jit3A_89 = arith.constant 6 : i32
      %select_n3A_90 = arith.select %gt3A_81, %jit3A_89, %select_n3A_78 : i32
      %slice3A_91 = vector.extract_strided_slice %get3A_16 {offsets = [7], sizes = [1], strides = [1]} : vector<16xf32> to vector<1xf32>
      %squeeze3A_92 = vector.extract %slice3A_91[0] : f32 from vector<1xf32>
      %gt3A_93 = arith.cmpf ogt, %squeeze3A_92, %select_n3A_88 : f32
      %gt3A_94 = arith.cmpf ogt, %squeeze3A_92, %select_n3A_84 : f32
      %select_n3A_95 = arith.select %gt3A_94, %squeeze3A_92, %select_n3A_84 : f32
      %select_n3A_96 = arith.select %gt3A_93, %select_n3A_88, %select_n3A_95 : f32
      %jit3A_97 = arith.constant 7 : i32
      %select_n3A_98 = arith.select %gt3A_94, %jit3A_97, %select_n3A_87 : i32
      %select_n3A_99 = arith.select %gt3A_93, %select_n3A_90, %select_n3A_98 : i32
      %select_n3A_100 = arith.select %gt3A_93, %squeeze3A_92, %select_n3A_88 : f32
      %jit3A_101 = arith.constant 7 : i32
      %select_n3A_102 = arith.select %gt3A_93, %jit3A_101, %select_n3A_90 : i32
      %eq3A = vector.broadcast %select_n3A_102 : i32 to vector<16xi32>
      %eq3A_103 = arith.cmpi eq, %iota3A, %eq3A : vector<16xi32>
      %broadcast_in_dim3A_104 = vector.broadcast %select_n3A_100 : f32 to vector<16xf32>
      %select_n3A_105 = arith.select %eq3A_103, %broadcast_in_dim3A_104, %scan3A_13 : vector<16xi1>, vector<16xf32>
      %add3A_106 = arith.constant 8 : i32
      %add3A_107 = arith.addi %add3A_106, %select_n3A_99 : i32
      %eq3A_108 = vector.broadcast %add3A_107 : i32 to vector<16xi32>
      %eq3A_109 = arith.cmpi eq, %iota3A, %eq3A_108 : vector<16xi32>
      %broadcast_in_dim3A_110 = vector.broadcast %select_n3A_96 : f32 to vector<16xf32>
      %select_n3A_111 = arith.select %eq3A_109, %broadcast_in_dim3A_110, %select_n3A_105 : vector<16xi1>, vector<16xf32>
      scf.yield %select_n3A_111 : vector<16xf32>
    }
    %scan3A_8 = arith.constant 64 : i32
    %swap3A = arith.constant 0 : index
    %swap3A_9 = tpu.vector_load %arg5[%swap3A] {strides = array<i32>} : memref<16xf32, #tpu.memory_space<vmem>>, vector<16xf32>,
    %swap3A_10 = vector.shape_cast %swap3A_9 : vector<16xf32> to vector<16xf32>
    %swap3A_11 = vector.shape_cast %scan3A_7 : vector<16xf32> to vector<16xf32>
    tpu.vector_store %arg5[%swap3A], %swap3A_11 {strides = array<i32>} : memref<16xf32, #tpu.memory_space<vmem>>, vector<16xf32>,
    "tpu.region"() ({
      %run_scoped3A = tpu.sem_alloc : memref<!tpu.dma_semaphore, #tpu.memory_space<semaphore_mem>>
      %dma_start3A = arith.constant 0 : i32
      %dma_start3A_12 = tpu.memref_slice %arg3[%add3A, %dma_start3A] : memref<32x16xf32, #tpu.memory_space<hbm>> -> memref<1x16xf32, #tpu.memory_space<hbm>>
      %dma_start3A_13 = tpu.memref_squeeze %dma_start3A_12 : memref<1x16xf32, #tpu.memory_space<hbm>> -> memref<16xf32, #tpu.memory_space<hbm>>
      %dma_start3A_14 = arith.constant 0 : i32
      %dma_start3A_15 = tpu.memref_slice %arg3[%add3A, %dma_start3A_14] : memref<32x16xf32, #tpu.memory_space<hbm>> -> memref<1x16xf32, #tpu.memory_space<hbm>>
      %dma_start3A_16 = tpu.memref_squeeze %dma_start3A_15 : memref<1x16xf32, #tpu.memory_space<hbm>> -> memref<16xf32, #tpu.memory_space<hbm>>
      tpu.enqueue_dma source(%arg5 : memref<16xf32, #tpu.memory_space<vmem>>) target(%dma_start3A_16 : memref<16xf32, #tpu.memory_space<hbm>>) target_semaphore(%run_scoped3A : memref<!tpu.dma_semaphore, #tpu.memory_space<semaphore_mem>>)
      %dma_wait3A = arith.constant 0 : i32
      %dma_wait3A_17 = tpu.memref_slice %arg3[%add3A, %dma_wait3A] : memref<32x16xf32, #tpu.memory_space<hbm>> -> memref<1x16xf32, #tpu.memory_space<hbm>>
      %dma_wait3A_18 = tpu.memref_squeeze %dma_wait3A_17 : memref<1x16xf32, #tpu.memory_space<hbm>> -> memref<16xf32, #tpu.memory_space<hbm>>
      %dma_wait3A_19 = arith.constant 0 : i32
      %dma_wait3A_20 = tpu.memref_slice %arg3[%add3A, %dma_wait3A_19] : memref<32x16xf32, #tpu.memory_space<hbm>> -> memref<1x16xf32, #tpu.memory_space<hbm>>
      %dma_wait3A_21 = tpu.memref_squeeze %dma_wait3A_20 : memref<1x16xf32, #tpu.memory_space<hbm>> -> memref<16xf32, #tpu.memory_space<hbm>>
      tpu.wait_dma2 semaphore(%run_scoped3A : memref<!tpu.dma_semaphore, #tpu.memory_space<semaphore_mem>>) src(%arg5 : memref<16xf32, #tpu.memory_space<vmem>>) dst(%dma_wait3A_21 : memref<16xf32, #tpu.memory_space<hbm>>)
      tpu.yield
    }) : () -> ()
    return
  }
}

module attributes {stable_mosaic.version = 14 : i64} {
  func.func @_expert_kernel(%arg0: i32, %arg1: memref<8x768xf32, #tpu.memory_space<vmem>>, %arg2: memref<2x384x768xf32, #tpu.memory_space<vmem>>, %arg3: memref<8x384xf32, #tpu.memory_space<vmem>>, %arg4: memref<2x768x384xf32, #tpu.memory_space<vmem>>, %arg5: memref<8x768xf32, #tpu.memory_space<vmem>>, %arg6: memref<2x8x768xf32, #tpu.memory_space<vmem>>, %arg7: memref<256x768xf32, #tpu.memory_space<vmem>>, %arg8: memref<2x8x8x384xf32, #tpu.memory_space<vmem>>, %arg9: memref<2x8x768xf32, #tpu.memory_space<vmem>>) attributes {dimension_semantics = [#tpu.dimension_semantics<arbitrary>], iteration_bounds = array<i64: 9>, scalar_prefetch = 0 : i64, scratch_operands = 2 : i64, tpu.core_type = #tpu.core_type<tc>, window_params = [{transform_indices = @transform_0, window_bounds = array<i64: 8, 768>}, {transform_indices = @transform_1, window_bounds = array<i64: 2, 384, 768>}, {transform_indices = @transform_2, window_bounds = array<i64: 8, 384>}, {transform_indices = @transform_3, window_bounds = array<i64: 2, 768, 384>}, {pipeline_mode = #tpu.pipeline_mode<synchronous>, transform_indices = @transform_4, window_bounds = array<i64: 8, 768>}, {pipeline_mode = #tpu.pipeline_mode<synchronous>, transform_indices = @transform_5, window_bounds = array<i64: 2, 8, 768>}, {transform_indices = @transform_6, window_bounds = array<i64: 256, 768>}]} {
    %broadcast_in_dim3A = arith.constant 0x7FC00000 : f32
    %broadcast_in_dim3A_0 = vector.broadcast %broadcast_in_dim3A : f32 to vector<256x768xf32>
    %swap3A = arith.constant 0 : index
    %swap3A_1 = arith.constant 0 : index
    %swap3A_2 = vector.load %arg7[%swap3A, %swap3A_1] : memref<256x768xf32, #tpu.memory_space<vmem>>, vector<256x768xf32>
    tpu.vector_store %arg7[%swap3A, %swap3A_1], %broadcast_in_dim3A_0 {strides = array<i32>} : memref<256x768xf32, #tpu.memory_space<vmem>>, vector<256x768xf32>,
    %lt3A = arith.constant 8 : i32
    %lt3A_3 = arith.cmpi slt, %arg0, %lt3A : i32
    %convert_element_type3A = arith.extui %lt3A_3 : i1 to i32
    %cond3A = arith.constant 0 : i32
    %cond3A_4 = arith.cmpi ne, %convert_element_type3A, %cond3A : i32
    scf.if %cond3A_4 {
      %get3A = arith.constant 0 : index
      %get3A_13 = arith.constant 0 : index
      %get3A_14 = vector.load %arg1[%get3A, %get3A_13] : memref<8x768xf32, #tpu.memory_space<vmem>>, vector<8x768xf32>
      %convert_element_type3A_15 = arith.truncf %get3A_14 : vector<8x768xf32> to vector<8x768xbf16>
      %get3A_16 = arith.constant 0 : index
      %get3A_17 = arith.constant 0 : index
      %get3A_18 = arith.constant 0 : index
      %get3A_19 = vector.load %arg2[%get3A_16, %get3A_17, %get3A_18] : memref<2x384x768xf32, #tpu.memory_space<vmem>>, vector<1x384x768xf32>
      %get3A_20 = vector.shape_cast %get3A_19 : vector<1x384x768xf32> to vector<384x768xf32>
      %convert_element_type3A_21 = arith.truncf %get3A_20 : vector<384x768xf32> to vector<384x768xbf16>
      %dot_general3A = arith.constant dense<0.000000e+00> : vector<8x384xf32>
      %dot_general3A_22 = tpu.matmul %convert_element_type3A_15, %convert_element_type3A_21, %dot_general3A {dimension_numbers = #tpu.dot_dimension_numbers<[1], [1], [0], [0], [0, 0, 1, 0], [], []>, transpose_lhs_hint = false} : vector<8x768xbf16>, vector<384x768xbf16>, vector<8x384xf32> -> vector<8x384xf32>
      %get3A_23 = arith.constant 0 : index
      %get3A_24 = arith.constant 0 : index
      %get3A_25 = vector.load %arg3[%get3A_23, %get3A_24] : memref<8x384xf32, #tpu.memory_space<vmem>>, vector<1x384xf32>
      %add3A = vector.broadcast %get3A_25 : vector<1x384xf32> to vector<8x384xf32>
      %add3A_26 = arith.addf %dot_general3A_22, %add3A : vector<8x384xf32>
      %logistic3A = arith.negf %add3A_26 : vector<8x384xf32>
      %logistic3A_27 = math.exp %logistic3A : vector<8x384xf32>
      %logistic3A_28 = arith.constant 1.000000e+00 : f32
      %logistic3A_29 = vector.broadcast %logistic3A_28 : f32 to vector<8x384xf32>
      %logistic3A_30 = arith.addf %logistic3A_29, %logistic3A_27 : vector<8x384xf32>
      %logistic3A_31 = arith.divf %logistic3A_29, %logistic3A_30 : vector<8x384xf32>
      %mul3A = arith.mulf %add3A_26, %logistic3A_31 : vector<8x384xf32>
      %swap3A_32 = arith.constant 0 : index
      %swap3A_33 = arith.constant 0 : index
      %swap3A_34 = arith.index_cast %arg0 : i32 to index
      %swap3A_35 = arith.constant 0 : index
      %swap3A_36 = vector.load %arg8[%swap3A_32, %swap3A_33, %swap3A_34, %swap3A_35] : memref<2x8x8x384xf32, #tpu.memory_space<vmem>>, vector<1x8x1x384xf32>
      %swap3A_37 = vector.shape_cast %swap3A_36 : vector<1x8x1x384xf32> to vector<8x384xf32>
      %swap3A_38 = vector.shape_cast %mul3A : vector<8x384xf32> to vector<1x8x1x384xf32>
      tpu.vector_store %arg8[%swap3A_32, %swap3A_33, %swap3A_34, %swap3A_35], %swap3A_38 {strides = array<i32>} : memref<2x8x8x384xf32, #tpu.memory_space<vmem>>, vector<1x8x1x384xf32>,
      %get3A_39 = arith.constant 0 : index
      %get3A_40 = arith.constant 0 : index
      %get3A_41 = vector.load %arg1[%get3A_39, %get3A_40] : memref<8x768xf32, #tpu.memory_space<vmem>>, vector<8x768xf32>
      %convert_element_type3A_42 = arith.truncf %get3A_41 : vector<8x768xf32> to vector<8x768xbf16>
      %get3A_43 = arith.constant 1 : index
      %get3A_44 = arith.constant 0 : index
      %get3A_45 = arith.constant 0 : index
      %get3A_46 = vector.load %arg2[%get3A_43, %get3A_44, %get3A_45] : memref<2x384x768xf32, #tpu.memory_space<vmem>>, vector<1x384x768xf32>
      %get3A_47 = vector.shape_cast %get3A_46 : vector<1x384x768xf32> to vector<384x768xf32>
      %convert_element_type3A_48 = arith.truncf %get3A_47 : vector<384x768xf32> to vector<384x768xbf16>
      %dot_general3A_49 = arith.constant dense<0.000000e+00> : vector<8x384xf32>
      %dot_general3A_50 = tpu.matmul %convert_element_type3A_42, %convert_element_type3A_48, %dot_general3A_49 {dimension_numbers = #tpu.dot_dimension_numbers<[1], [1], [0], [0], [0, 0, 1, 0], [], []>, transpose_lhs_hint = false} : vector<8x768xbf16>, vector<384x768xbf16>, vector<8x384xf32> -> vector<8x384xf32>
      %get3A_51 = arith.constant 1 : index
      %get3A_52 = arith.constant 0 : index
      %get3A_53 = vector.load %arg3[%get3A_51, %get3A_52] : memref<8x384xf32, #tpu.memory_space<vmem>>, vector<1x384xf32>
      %add3A_54 = vector.broadcast %get3A_53 : vector<1x384xf32> to vector<8x384xf32>
      %add3A_55 = arith.addf %dot_general3A_50, %add3A_54 : vector<8x384xf32>
      %logistic3A_56 = arith.negf %add3A_55 : vector<8x384xf32>
      %logistic3A_57 = math.exp %logistic3A_56 : vector<8x384xf32>
      %logistic3A_58 = arith.constant 1.000000e+00 : f32
      %logistic3A_59 = vector.broadcast %logistic3A_58 : f32 to vector<8x384xf32>
      %logistic3A_60 = arith.addf %logistic3A_59, %logistic3A_57 : vector<8x384xf32>
      %logistic3A_61 = arith.divf %logistic3A_59, %logistic3A_60 : vector<8x384xf32>
      %mul3A_62 = arith.mulf %add3A_55, %logistic3A_61 : vector<8x384xf32>
      %swap3A_63 = arith.constant 1 : index
      %swap3A_64 = arith.constant 0 : index
      %swap3A_65 = arith.index_cast %arg0 : i32 to index
      %swap3A_66 = arith.constant 0 : index
      %swap3A_67 = vector.load %arg8[%swap3A_63, %swap3A_64, %swap3A_65, %swap3A_66] : memref<2x8x8x384xf32, #tpu.memory_space<vmem>>, vector<1x8x1x384xf32>
      %swap3A_68 = vector.shape_cast %swap3A_67 : vector<1x8x1x384xf32> to vector<8x384xf32>
      %swap3A_69 = vector.shape_cast %mul3A_62 : vector<8x384xf32> to vector<1x8x1x384xf32>
      tpu.vector_store %arg8[%swap3A_63, %swap3A_64, %swap3A_65, %swap3A_66], %swap3A_69 {strides = array<i32>} : memref<2x8x8x384xf32, #tpu.memory_space<vmem>>, vector<1x8x1x384xf32>,
    } else {
    }
    %ge3A = arith.constant 1 : i32
    %ge3A_5 = arith.cmpi sge, %arg0, %ge3A : i32
    %convert_element_type3A_6 = arith.extui %ge3A_5 : i1 to i32
    %cond3A_7 = arith.constant 0 : i32
    %cond3A_8 = arith.cmpi ne, %convert_element_type3A_6, %cond3A_7 : i32
    scf.if %cond3A_8 {
      %sub3A = arith.constant 1 : i32
      %sub3A_13 = arith.subi %arg0, %sub3A : i32
      %get3A = arith.constant 0 : index
      %get3A_14 = arith.constant 0 : index
      %get3A_15 = arith.index_cast %sub3A_13 : i32 to index
      %get3A_16 = arith.constant 0 : index
      %get3A_17 = vector.load %arg8[%get3A, %get3A_14, %get3A_15, %get3A_16] : memref<2x8x8x384xf32, #tpu.memory_space<vmem>>, vector<1x8x1x384xf32>
      %get3A_18 = vector.shape_cast %get3A_17 : vector<1x8x1x384xf32> to vector<8x384xf32>
      %convert_element_type3A_19 = arith.truncf %get3A_18 : vector<8x384xf32> to vector<8x384xbf16>
      %get3A_20 = arith.constant 0 : index
      %get3A_21 = arith.constant 0 : index
      %get3A_22 = arith.constant 0 : index
      %get3A_23 = vector.load %arg4[%get3A_20, %get3A_21, %get3A_22] : memref<2x768x384xf32, #tpu.memory_space<vmem>>, vector<1x768x384xf32>
      %get3A_24 = vector.shape_cast %get3A_23 : vector<1x768x384xf32> to vector<768x384xf32>
      %convert_element_type3A_25 = arith.truncf %get3A_24 : vector<768x384xf32> to vector<768x384xbf16>
      %dot_general3A = arith.constant dense<0.000000e+00> : vector<8x768xf32>
      %dot_general3A_26 = tpu.matmul %convert_element_type3A_19, %convert_element_type3A_25, %dot_general3A {dimension_numbers = #tpu.dot_dimension_numbers<[1], [1], [0], [0], [0, 0, 1, 0], [], []>, transpose_lhs_hint = false} : vector<8x384xbf16>, vector<768x384xbf16>, vector<8x768xf32> -> vector<8x768xf32>
      %eq3A_27 = arith.constant 1 : i32
      %eq3A_28 = arith.cmpi eq, %arg0, %eq3A_27 : i32
      %get3A_29 = arith.constant 0 : index
      %get3A_30 = arith.constant 0 : index
      %get3A_31 = vector.load %arg5[%get3A_29, %get3A_30] : memref<8x768xf32, #tpu.memory_space<vmem>>, vector<1x768xf32>
      %broadcast_in_dim3A_32 = vector.shape_cast %get3A_31 : vector<1x768xf32> to vector<1x768xf32>
      %broadcast_in_dim3A_33 = vector.broadcast %broadcast_in_dim3A_32 : vector<1x768xf32> to vector<8x768xf32>
      %get3A_34 = arith.constant 0 : index
      %get3A_35 = arith.constant 0 : index
      %get3A_36 = arith.constant 0 : index
      %get3A_37 = vector.load %arg9[%get3A_34, %get3A_35, %get3A_36] : memref<2x8x768xf32, #tpu.memory_space<vmem>>, vector<1x8x768xf32>
      %get3A_38 = vector.shape_cast %get3A_37 : vector<1x8x768xf32> to vector<8x768xf32>
      %select_n3A = arith.select %eq3A_28, %broadcast_in_dim3A_33, %get3A_38 : vector<8x768xf32>
      %add3A = arith.addf %select_n3A, %dot_general3A_26 : vector<8x768xf32>
      %swap3A_39 = arith.constant 0 : index
      %swap3A_40 = arith.constant 0 : index
      %swap3A_41 = arith.constant 0 : index
      %swap3A_42 = vector.load %arg9[%swap3A_39, %swap3A_40, %swap3A_41] : memref<2x8x768xf32, #tpu.memory_space<vmem>>, vector<1x8x768xf32>
      %swap3A_43 = vector.shape_cast %swap3A_42 : vector<1x8x768xf32> to vector<8x768xf32>
      %swap3A_44 = vector.shape_cast %add3A : vector<8x768xf32> to vector<1x8x768xf32>
      tpu.vector_store %arg9[%swap3A_39, %swap3A_40, %swap3A_41], %swap3A_44 {strides = array<i32>} : memref<2x8x768xf32, #tpu.memory_space<vmem>>, vector<1x8x768xf32>,
      %sub3A_45 = arith.constant 1 : i32
      %sub3A_46 = arith.subi %arg0, %sub3A_45 : i32
      %get3A_47 = arith.constant 1 : index
      %get3A_48 = arith.constant 0 : index
      %get3A_49 = arith.index_cast %sub3A_46 : i32 to index
      %get3A_50 = arith.constant 0 : index
      %get3A_51 = vector.load %arg8[%get3A_47, %get3A_48, %get3A_49, %get3A_50] : memref<2x8x8x384xf32, #tpu.memory_space<vmem>>, vector<1x8x1x384xf32>
      %get3A_52 = vector.shape_cast %get3A_51 : vector<1x8x1x384xf32> to vector<8x384xf32>
      %convert_element_type3A_53 = arith.truncf %get3A_52 : vector<8x384xf32> to vector<8x384xbf16>
      %get3A_54 = arith.constant 1 : index
      %get3A_55 = arith.constant 0 : index
      %get3A_56 = arith.constant 0 : index
      %get3A_57 = vector.load %arg4[%get3A_54, %get3A_55, %get3A_56] : memref<2x768x384xf32, #tpu.memory_space<vmem>>, vector<1x768x384xf32>
      %get3A_58 = vector.shape_cast %get3A_57 : vector<1x768x384xf32> to vector<768x384xf32>
      %convert_element_type3A_59 = arith.truncf %get3A_58 : vector<768x384xf32> to vector<768x384xbf16>
      %dot_general3A_60 = arith.constant dense<0.000000e+00> : vector<8x768xf32>
      %dot_general3A_61 = tpu.matmul %convert_element_type3A_53, %convert_element_type3A_59, %dot_general3A_60 {dimension_numbers = #tpu.dot_dimension_numbers<[1], [1], [0], [0], [0, 0, 1, 0], [], []>, transpose_lhs_hint = false} : vector<8x384xbf16>, vector<768x384xbf16>, vector<8x768xf32> -> vector<8x768xf32>
      %eq3A_62 = arith.constant 1 : i32
      %eq3A_63 = arith.cmpi eq, %arg0, %eq3A_62 : i32
      %get3A_64 = arith.constant 1 : index
      %get3A_65 = arith.constant 0 : index
      %get3A_66 = vector.load %arg5[%get3A_64, %get3A_65] : memref<8x768xf32, #tpu.memory_space<vmem>>, vector<1x768xf32>
      %broadcast_in_dim3A_67 = vector.shape_cast %get3A_66 : vector<1x768xf32> to vector<1x768xf32>
      %broadcast_in_dim3A_68 = vector.broadcast %broadcast_in_dim3A_67 : vector<1x768xf32> to vector<8x768xf32>
      %get3A_69 = arith.constant 1 : index
      %get3A_70 = arith.constant 0 : index
      %get3A_71 = arith.constant 0 : index
      %get3A_72 = vector.load %arg9[%get3A_69, %get3A_70, %get3A_71] : memref<2x8x768xf32, #tpu.memory_space<vmem>>, vector<1x8x768xf32>
      %get3A_73 = vector.shape_cast %get3A_72 : vector<1x8x768xf32> to vector<8x768xf32>
      %select_n3A_74 = arith.select %eq3A_63, %broadcast_in_dim3A_68, %get3A_73 : vector<8x768xf32>
      %add3A_75 = arith.addf %select_n3A_74, %dot_general3A_61 : vector<8x768xf32>
      %swap3A_76 = arith.constant 1 : index
      %swap3A_77 = arith.constant 0 : index
      %swap3A_78 = arith.constant 0 : index
      %swap3A_79 = vector.load %arg9[%swap3A_76, %swap3A_77, %swap3A_78] : memref<2x8x768xf32, #tpu.memory_space<vmem>>, vector<1x8x768xf32>
      %swap3A_80 = vector.shape_cast %swap3A_79 : vector<1x8x768xf32> to vector<8x768xf32>
      %swap3A_81 = vector.shape_cast %add3A_75 : vector<8x768xf32> to vector<1x8x768xf32>
      tpu.vector_store %arg9[%swap3A_76, %swap3A_77, %swap3A_78], %swap3A_81 {strides = array<i32>} : memref<2x8x768xf32, #tpu.memory_space<vmem>>, vector<1x8x768xf32>,
    } else {
    }
    %eq3A = arith.constant 8 : i32
    %eq3A_9 = arith.cmpi eq, %arg0, %eq3A : i32
    %convert_element_type3A_10 = arith.extui %eq3A_9 : i1 to i32
    %cond3A_11 = arith.constant 0 : i32
    %cond3A_12 = arith.cmpi ne, %convert_element_type3A_10, %cond3A_11 : i32
    scf.if %cond3A_12 {
      %get3A = arith.constant 0 : index
      %get3A_13 = arith.constant 0 : index
      %get3A_14 = arith.constant 0 : index
      %get3A_15 = vector.load %arg9[%get3A, %get3A_13, %get3A_14] : memref<2x8x768xf32, #tpu.memory_space<vmem>>, vector<2x8x768xf32>
      %swap3A_16 = arith.constant 0 : index
      %swap3A_17 = arith.constant 0 : index
      %swap3A_18 = arith.constant 0 : index
      %swap3A_19 = vector.load %arg6[%swap3A_16, %swap3A_17, %swap3A_18] : memref<2x8x768xf32, #tpu.memory_space<vmem>>, vector<2x8x768xf32>
      tpu.vector_store %arg6[%swap3A_16, %swap3A_17, %swap3A_18], %get3A_15 {strides = array<i32>} : memref<2x8x768xf32, #tpu.memory_space<vmem>>, vector<2x8x768xf32>,
    } else {
    }
    return
  }
  func.func @transform_0(%arg0: i32) -> (i32, i32) {
    %c0_i32 = arith.constant 0 : i32
    %c0_i32_0 = arith.constant 0 : i32
    %c0_i32_1 = arith.constant 0 : i32
    return %c0_i32, %c0_i32_0 : i32, i32
  }
  func.func @transform_1(%arg0: i32) -> (i32, i32, i32) {
    %min3A = arith.constant 7 : i32
    %min3A_0 = arith.minsi %arg0, %min3A : i32
    %c0_i32 = arith.constant 0 : i32
    %c0_i32_1 = arith.constant 0 : i32
    %c0_i32_2 = arith.constant 0 : i32
    return %c0_i32, %min3A_0, %c0_i32_1 : i32, i32, i32
  }
  func.func @transform_2(%arg0: i32) -> (i32, i32) {
    %min3A = arith.constant 7 : i32
    %min3A_0 = arith.minsi %arg0, %min3A : i32
    %c0_i32 = arith.constant 0 : i32
    %c0_i32_1 = arith.constant 0 : i32
    return %c0_i32, %min3A_0 : i32, i32
  }
  func.func @transform_3(%arg0: i32) -> (i32, i32, i32) {
    %sub3A = arith.constant 1 : i32
    %sub3A_0 = arith.subi %arg0, %sub3A : i32
    %max3A = arith.constant 0 : i32
    %max3A_1 = arith.maxsi %sub3A_0, %max3A : i32
    %c0_i32 = arith.constant 0 : i32
    %c0_i32_2 = arith.constant 0 : i32
    %c0_i32_3 = arith.constant 0 : i32
    return %c0_i32, %c0_i32_2, %max3A_1 : i32, i32, i32
  }
  func.func @transform_4(%arg0: i32) -> (i32, i32) {
    %c0_i32 = arith.constant 0 : i32
    %c0_i32_0 = arith.constant 0 : i32
    %c0_i32_1 = arith.constant 0 : i32
    return %c0_i32, %c0_i32_0 : i32, i32
  }
  func.func @transform_5(%arg0: i32) -> (i32, i32, i32) {
    %c0_i32 = arith.constant 0 : i32
    %c0_i32_0 = arith.constant 0 : i32
    %c0_i32_1 = arith.constant 0 : i32
    %c0_i32_2 = arith.constant 0 : i32
    return %c0_i32, %c0_i32_0, %c0_i32_1 : i32, i32, i32
  }
  func.func @transform_6(%arg0: i32) -> (i32, i32) {
    %sub3A = arith.constant 1 : i32
    %sub3A_0 = arith.subi %arg0, %sub3A : i32
    %max3A = arith.constant 0 : i32
    %max3A_1 = arith.maxsi %sub3A_0, %max3A : i32
    %c0_i32 = arith.constant 0 : i32
    %c0_i32_2 = arith.constant 0 : i32
    return %max3A_1, %c0_i32 : i32, i32
  }
}

module attributes {stable_mosaic.version = 14 : i64} {
  func.func @_combine_kernel(%arg0: i32, %arg1: memref<32x16xf32, #tpu.memory_space<vmem>>, %arg2: memref<2x8x768xf32, #tpu.memory_space<vmem>>, %arg3: memref<8x768xf32, #tpu.memory_space<vmem>>, %arg4: memref<8x768xf32, #tpu.memory_space<vmem>>) attributes {dimension_semantics = [#tpu.dimension_semantics<arbitrary>], iteration_bounds = array<i64: 1>, scalar_prefetch = 0 : i64, scratch_operands = 0 : i64, tpu.core_type = #tpu.core_type<tc>, window_params = [{pipeline_mode = #tpu.pipeline_mode<synchronous>, transform_indices = @transform_0, window_bounds = array<i64: 32, 16>}, {pipeline_mode = #tpu.pipeline_mode<synchronous>, transform_indices = @transform_1, window_bounds = array<i64: 2, 8, 768>}, {transform_indices = @transform_2, window_bounds = array<i64: 8, 768>}, {transform_indices = @transform_3, window_bounds = array<i64: 8, 768>}]} {
    %get3A = arith.constant 0 : index
    %get3A_0 = arith.constant 0 : index
    %get3A_1 = vector.load %arg1[%get3A, %get3A_0] : memref<32x16xf32, #tpu.memory_space<vmem>>, vector<1x16xf32>
    %get3A_2 = arith.constant 1 : index
    %get3A_3 = arith.constant 0 : index
    %get3A_4 = vector.load %arg1[%get3A_2, %get3A_3] : memref<32x16xf32, #tpu.memory_space<vmem>>, vector<1x16xf32>
    %gt3A = arith.constant 0xFF800000 : f32
    %gt3A_5 = vector.broadcast %gt3A : f32 to vector<1x16xf32>
    %gt3A_6 = arith.cmpf ogt, %get3A_4, %gt3A_5 : vector<1x16xf32>
    %select_n3A = arith.select %gt3A_6, %get3A_4, %get3A_1 : vector<1x16xi1>, vector<1x16xf32>
    %get3A_7 = arith.constant 2 : index
    %get3A_8 = arith.constant 0 : index
    %get3A_9 = vector.load %arg1[%get3A_7, %get3A_8] : memref<32x16xf32, #tpu.memory_space<vmem>>, vector<1x16xf32>
    %gt3A_10 = arith.constant 0xFF800000 : f32
    %gt3A_11 = vector.broadcast %gt3A_10 : f32 to vector<1x16xf32>
    %gt3A_12 = arith.cmpf ogt, %get3A_9, %gt3A_11 : vector<1x16xf32>
    %select_n3A_13 = arith.select %gt3A_12, %get3A_9, %select_n3A : vector<1x16xi1>, vector<1x16xf32>
    %get3A_14 = arith.constant 3 : index
    %get3A_15 = arith.constant 0 : index
    %get3A_16 = vector.load %arg1[%get3A_14, %get3A_15] : memref<32x16xf32, #tpu.memory_space<vmem>>, vector<1x16xf32>
    %gt3A_17 = arith.constant 0xFF800000 : f32
    %gt3A_18 = vector.broadcast %gt3A_17 : f32 to vector<1x16xf32>
    %gt3A_19 = arith.cmpf ogt, %get3A_16, %gt3A_18 : vector<1x16xf32>
    %select_n3A_20 = arith.select %gt3A_19, %get3A_16, %select_n3A_13 : vector<1x16xi1>, vector<1x16xf32>
    %get3A_21 = arith.constant 4 : index
    %get3A_22 = arith.constant 0 : index
    %get3A_23 = vector.load %arg1[%get3A_21, %get3A_22] : memref<32x16xf32, #tpu.memory_space<vmem>>, vector<1x16xf32>
    %gt3A_24 = arith.constant 0xFF800000 : f32
    %gt3A_25 = vector.broadcast %gt3A_24 : f32 to vector<1x16xf32>
    %gt3A_26 = arith.cmpf ogt, %get3A_23, %gt3A_25 : vector<1x16xf32>
    %select_n3A_27 = arith.select %gt3A_26, %get3A_23, %select_n3A_20 : vector<1x16xi1>, vector<1x16xf32>
    %get3A_28 = arith.constant 5 : index
    %get3A_29 = arith.constant 0 : index
    %get3A_30 = vector.load %arg1[%get3A_28, %get3A_29] : memref<32x16xf32, #tpu.memory_space<vmem>>, vector<1x16xf32>
    %gt3A_31 = arith.constant 0xFF800000 : f32
    %gt3A_32 = vector.broadcast %gt3A_31 : f32 to vector<1x16xf32>
    %gt3A_33 = arith.cmpf ogt, %get3A_30, %gt3A_32 : vector<1x16xf32>
    %select_n3A_34 = arith.select %gt3A_33, %get3A_30, %select_n3A_27 : vector<1x16xi1>, vector<1x16xf32>
    %get3A_35 = arith.constant 6 : index
    %get3A_36 = arith.constant 0 : index
    %get3A_37 = vector.load %arg1[%get3A_35, %get3A_36] : memref<32x16xf32, #tpu.memory_space<vmem>>, vector<1x16xf32>
    %gt3A_38 = arith.constant 0xFF800000 : f32
    %gt3A_39 = vector.broadcast %gt3A_38 : f32 to vector<1x16xf32>
    %gt3A_40 = arith.cmpf ogt, %get3A_37, %gt3A_39 : vector<1x16xf32>
    %select_n3A_41 = arith.select %gt3A_40, %get3A_37, %select_n3A_34 : vector<1x16xi1>, vector<1x16xf32>
    %get3A_42 = arith.constant 7 : index
    %get3A_43 = arith.constant 0 : index
    %get3A_44 = vector.load %arg1[%get3A_42, %get3A_43] : memref<32x16xf32, #tpu.memory_space<vmem>>, vector<1x16xf32>
    %gt3A_45 = arith.constant 0xFF800000 : f32
    %gt3A_46 = vector.broadcast %gt3A_45 : f32 to vector<1x16xf32>
    %gt3A_47 = arith.cmpf ogt, %get3A_44, %gt3A_46 : vector<1x16xf32>
    %select_n3A_48 = arith.select %gt3A_47, %get3A_44, %select_n3A_41 : vector<1x16xi1>, vector<1x16xf32>
    %get3A_49 = arith.constant 8 : index
    %get3A_50 = arith.constant 0 : index
    %get3A_51 = vector.load %arg1[%get3A_49, %get3A_50] : memref<32x16xf32, #tpu.memory_space<vmem>>, vector<1x16xf32>
    %gt3A_52 = arith.constant 0xFF800000 : f32
    %gt3A_53 = vector.broadcast %gt3A_52 : f32 to vector<1x16xf32>
    %gt3A_54 = arith.cmpf ogt, %get3A_51, %gt3A_53 : vector<1x16xf32>
    %select_n3A_55 = arith.select %gt3A_54, %get3A_51, %select_n3A_48 : vector<1x16xi1>, vector<1x16xf32>
    %get3A_56 = arith.constant 9 : index
    %get3A_57 = arith.constant 0 : index
    %get3A_58 = vector.load %arg1[%get3A_56, %get3A_57] : memref<32x16xf32, #tpu.memory_space<vmem>>, vector<1x16xf32>
    %gt3A_59 = arith.constant 0xFF800000 : f32
    %gt3A_60 = vector.broadcast %gt3A_59 : f32 to vector<1x16xf32>
    %gt3A_61 = arith.cmpf ogt, %get3A_58, %gt3A_60 : vector<1x16xf32>
    %select_n3A_62 = arith.select %gt3A_61, %get3A_58, %select_n3A_55 : vector<1x16xi1>, vector<1x16xf32>
    %get3A_63 = arith.constant 10 : index
    %get3A_64 = arith.constant 0 : index
    %get3A_65 = vector.load %arg1[%get3A_63, %get3A_64] : memref<32x16xf32, #tpu.memory_space<vmem>>, vector<1x16xf32>
    %gt3A_66 = arith.constant 0xFF800000 : f32
    %gt3A_67 = vector.broadcast %gt3A_66 : f32 to vector<1x16xf32>
    %gt3A_68 = arith.cmpf ogt, %get3A_65, %gt3A_67 : vector<1x16xf32>
    %select_n3A_69 = arith.select %gt3A_68, %get3A_65, %select_n3A_62 : vector<1x16xi1>, vector<1x16xf32>
    %get3A_70 = arith.constant 11 : index
    %get3A_71 = arith.constant 0 : index
    %get3A_72 = vector.load %arg1[%get3A_70, %get3A_71] : memref<32x16xf32, #tpu.memory_space<vmem>>, vector<1x16xf32>
    %gt3A_73 = arith.constant 0xFF800000 : f32
    %gt3A_74 = vector.broadcast %gt3A_73 : f32 to vector<1x16xf32>
    %gt3A_75 = arith.cmpf ogt, %get3A_72, %gt3A_74 : vector<1x16xf32>
    %select_n3A_76 = arith.select %gt3A_75, %get3A_72, %select_n3A_69 : vector<1x16xi1>, vector<1x16xf32>
    %get3A_77 = arith.constant 12 : index
    %get3A_78 = arith.constant 0 : index
    %get3A_79 = vector.load %arg1[%get3A_77, %get3A_78] : memref<32x16xf32, #tpu.memory_space<vmem>>, vector<1x16xf32>
    %gt3A_80 = arith.constant 0xFF800000 : f32
    %gt3A_81 = vector.broadcast %gt3A_80 : f32 to vector<1x16xf32>
    %gt3A_82 = arith.cmpf ogt, %get3A_79, %gt3A_81 : vector<1x16xf32>
    %select_n3A_83 = arith.select %gt3A_82, %get3A_79, %select_n3A_76 : vector<1x16xi1>, vector<1x16xf32>
    %get3A_84 = arith.constant 13 : index
    %get3A_85 = arith.constant 0 : index
    %get3A_86 = vector.load %arg1[%get3A_84, %get3A_85] : memref<32x16xf32, #tpu.memory_space<vmem>>, vector<1x16xf32>
    %gt3A_87 = arith.constant 0xFF800000 : f32
    %gt3A_88 = vector.broadcast %gt3A_87 : f32 to vector<1x16xf32>
    %gt3A_89 = arith.cmpf ogt, %get3A_86, %gt3A_88 : vector<1x16xf32>
    %select_n3A_90 = arith.select %gt3A_89, %get3A_86, %select_n3A_83 : vector<1x16xi1>, vector<1x16xf32>
    %get3A_91 = arith.constant 14 : index
    %get3A_92 = arith.constant 0 : index
    %get3A_93 = vector.load %arg1[%get3A_91, %get3A_92] : memref<32x16xf32, #tpu.memory_space<vmem>>, vector<1x16xf32>
    %gt3A_94 = arith.constant 0xFF800000 : f32
    %gt3A_95 = vector.broadcast %gt3A_94 : f32 to vector<1x16xf32>
    %gt3A_96 = arith.cmpf ogt, %get3A_93, %gt3A_95 : vector<1x16xf32>
    %select_n3A_97 = arith.select %gt3A_96, %get3A_93, %select_n3A_90 : vector<1x16xi1>, vector<1x16xf32>
    %get3A_98 = arith.constant 15 : index
    %get3A_99 = arith.constant 0 : index
    %get3A_100 = vector.load %arg1[%get3A_98, %get3A_99] : memref<32x16xf32, #tpu.memory_space<vmem>>, vector<1x16xf32>
    %gt3A_101 = arith.constant 0xFF800000 : f32
    %gt3A_102 = vector.broadcast %gt3A_101 : f32 to vector<1x16xf32>
    %gt3A_103 = arith.cmpf ogt, %get3A_100, %gt3A_102 : vector<1x16xf32>
    %select_n3A_104 = arith.select %gt3A_103, %get3A_100, %select_n3A_97 : vector<1x16xi1>, vector<1x16xf32>
    %get3A_105 = arith.constant 16 : index
    %get3A_106 = arith.constant 0 : index
    %get3A_107 = vector.load %arg1[%get3A_105, %get3A_106] : memref<32x16xf32, #tpu.memory_space<vmem>>, vector<1x16xf32>
    %gt3A_108 = arith.constant 0xFF800000 : f32
    %gt3A_109 = vector.broadcast %gt3A_108 : f32 to vector<1x16xf32>
    %gt3A_110 = arith.cmpf ogt, %get3A_107, %gt3A_109 : vector<1x16xf32>
    %select_n3A_111 = arith.select %gt3A_110, %get3A_107, %select_n3A_104 : vector<1x16xi1>, vector<1x16xf32>
    %get3A_112 = arith.constant 17 : index
    %get3A_113 = arith.constant 0 : index
    %get3A_114 = vector.load %arg1[%get3A_112, %get3A_113] : memref<32x16xf32, #tpu.memory_space<vmem>>, vector<1x16xf32>
    %gt3A_115 = arith.constant 0xFF800000 : f32
    %gt3A_116 = vector.broadcast %gt3A_115 : f32 to vector<1x16xf32>
    %gt3A_117 = arith.cmpf ogt, %get3A_114, %gt3A_116 : vector<1x16xf32>
    %select_n3A_118 = arith.select %gt3A_117, %get3A_114, %select_n3A_111 : vector<1x16xi1>, vector<1x16xf32>
    %get3A_119 = arith.constant 18 : index
    %get3A_120 = arith.constant 0 : index
    %get3A_121 = vector.load %arg1[%get3A_119, %get3A_120] : memref<32x16xf32, #tpu.memory_space<vmem>>, vector<1x16xf32>
    %gt3A_122 = arith.constant 0xFF800000 : f32
    %gt3A_123 = vector.broadcast %gt3A_122 : f32 to vector<1x16xf32>
    %gt3A_124 = arith.cmpf ogt, %get3A_121, %gt3A_123 : vector<1x16xf32>
    %select_n3A_125 = arith.select %gt3A_124, %get3A_121, %select_n3A_118 : vector<1x16xi1>, vector<1x16xf32>
    %get3A_126 = arith.constant 19 : index
    %get3A_127 = arith.constant 0 : index
    %get3A_128 = vector.load %arg1[%get3A_126, %get3A_127] : memref<32x16xf32, #tpu.memory_space<vmem>>, vector<1x16xf32>
    %gt3A_129 = arith.constant 0xFF800000 : f32
    %gt3A_130 = vector.broadcast %gt3A_129 : f32 to vector<1x16xf32>
    %gt3A_131 = arith.cmpf ogt, %get3A_128, %gt3A_130 : vector<1x16xf32>
    %select_n3A_132 = arith.select %gt3A_131, %get3A_128, %select_n3A_125 : vector<1x16xi1>, vector<1x16xf32>
    %get3A_133 = arith.constant 20 : index
    %get3A_134 = arith.constant 0 : index
    %get3A_135 = vector.load %arg1[%get3A_133, %get3A_134] : memref<32x16xf32, #tpu.memory_space<vmem>>, vector<1x16xf32>
    %gt3A_136 = arith.constant 0xFF800000 : f32
    %gt3A_137 = vector.broadcast %gt3A_136 : f32 to vector<1x16xf32>
    %gt3A_138 = arith.cmpf ogt, %get3A_135, %gt3A_137 : vector<1x16xf32>
    %select_n3A_139 = arith.select %gt3A_138, %get3A_135, %select_n3A_132 : vector<1x16xi1>, vector<1x16xf32>
    %get3A_140 = arith.constant 21 : index
    %get3A_141 = arith.constant 0 : index
    %get3A_142 = vector.load %arg1[%get3A_140, %get3A_141] : memref<32x16xf32, #tpu.memory_space<vmem>>, vector<1x16xf32>
    %gt3A_143 = arith.constant 0xFF800000 : f32
    %gt3A_144 = vector.broadcast %gt3A_143 : f32 to vector<1x16xf32>
    %gt3A_145 = arith.cmpf ogt, %get3A_142, %gt3A_144 : vector<1x16xf32>
    %select_n3A_146 = arith.select %gt3A_145, %get3A_142, %select_n3A_139 : vector<1x16xi1>, vector<1x16xf32>
    %get3A_147 = arith.constant 22 : index
    %get3A_148 = arith.constant 0 : index
    %get3A_149 = vector.load %arg1[%get3A_147, %get3A_148] : memref<32x16xf32, #tpu.memory_space<vmem>>, vector<1x16xf32>
    %gt3A_150 = arith.constant 0xFF800000 : f32
    %gt3A_151 = vector.broadcast %gt3A_150 : f32 to vector<1x16xf32>
    %gt3A_152 = arith.cmpf ogt, %get3A_149, %gt3A_151 : vector<1x16xf32>
    %select_n3A_153 = arith.select %gt3A_152, %get3A_149, %select_n3A_146 : vector<1x16xi1>, vector<1x16xf32>
    %get3A_154 = arith.constant 23 : index
    %get3A_155 = arith.constant 0 : index
    %get3A_156 = vector.load %arg1[%get3A_154, %get3A_155] : memref<32x16xf32, #tpu.memory_space<vmem>>, vector<1x16xf32>
    %gt3A_157 = arith.constant 0xFF800000 : f32
    %gt3A_158 = vector.broadcast %gt3A_157 : f32 to vector<1x16xf32>
    %gt3A_159 = arith.cmpf ogt, %get3A_156, %gt3A_158 : vector<1x16xf32>
    %select_n3A_160 = arith.select %gt3A_159, %get3A_156, %select_n3A_153 : vector<1x16xi1>, vector<1x16xf32>
    %get3A_161 = arith.constant 24 : index
    %get3A_162 = arith.constant 0 : index
    %get3A_163 = vector.load %arg1[%get3A_161, %get3A_162] : memref<32x16xf32, #tpu.memory_space<vmem>>, vector<1x16xf32>
    %gt3A_164 = arith.constant 0xFF800000 : f32
    %gt3A_165 = vector.broadcast %gt3A_164 : f32 to vector<1x16xf32>
    %gt3A_166 = arith.cmpf ogt, %get3A_163, %gt3A_165 : vector<1x16xf32>
    %select_n3A_167 = arith.select %gt3A_166, %get3A_163, %select_n3A_160 : vector<1x16xi1>, vector<1x16xf32>
    %get3A_168 = arith.constant 25 : index
    %get3A_169 = arith.constant 0 : index
    %get3A_170 = vector.load %arg1[%get3A_168, %get3A_169] : memref<32x16xf32, #tpu.memory_space<vmem>>, vector<1x16xf32>
    %gt3A_171 = arith.constant 0xFF800000 : f32
    %gt3A_172 = vector.broadcast %gt3A_171 : f32 to vector<1x16xf32>
    %gt3A_173 = arith.cmpf ogt, %get3A_170, %gt3A_172 : vector<1x16xf32>
    %select_n3A_174 = arith.select %gt3A_173, %get3A_170, %select_n3A_167 : vector<1x16xi1>, vector<1x16xf32>
    %get3A_175 = arith.constant 26 : index
    %get3A_176 = arith.constant 0 : index
    %get3A_177 = vector.load %arg1[%get3A_175, %get3A_176] : memref<32x16xf32, #tpu.memory_space<vmem>>, vector<1x16xf32>
    %gt3A_178 = arith.constant 0xFF800000 : f32
    %gt3A_179 = vector.broadcast %gt3A_178 : f32 to vector<1x16xf32>
    %gt3A_180 = arith.cmpf ogt, %get3A_177, %gt3A_179 : vector<1x16xf32>
    %select_n3A_181 = arith.select %gt3A_180, %get3A_177, %select_n3A_174 : vector<1x16xi1>, vector<1x16xf32>
    %get3A_182 = arith.constant 27 : index
    %get3A_183 = arith.constant 0 : index
    %get3A_184 = vector.load %arg1[%get3A_182, %get3A_183] : memref<32x16xf32, #tpu.memory_space<vmem>>, vector<1x16xf32>
    %gt3A_185 = arith.constant 0xFF800000 : f32
    %gt3A_186 = vector.broadcast %gt3A_185 : f32 to vector<1x16xf32>
    %gt3A_187 = arith.cmpf ogt, %get3A_184, %gt3A_186 : vector<1x16xf32>
    %select_n3A_188 = arith.select %gt3A_187, %get3A_184, %select_n3A_181 : vector<1x16xi1>, vector<1x16xf32>
    %get3A_189 = arith.constant 28 : index
    %get3A_190 = arith.constant 0 : index
    %get3A_191 = vector.load %arg1[%get3A_189, %get3A_190] : memref<32x16xf32, #tpu.memory_space<vmem>>, vector<1x16xf32>
    %gt3A_192 = arith.constant 0xFF800000 : f32
    %gt3A_193 = vector.broadcast %gt3A_192 : f32 to vector<1x16xf32>
    %gt3A_194 = arith.cmpf ogt, %get3A_191, %gt3A_193 : vector<1x16xf32>
    %select_n3A_195 = arith.select %gt3A_194, %get3A_191, %select_n3A_188 : vector<1x16xi1>, vector<1x16xf32>
    %get3A_196 = arith.constant 29 : index
    %get3A_197 = arith.constant 0 : index
    %get3A_198 = vector.load %arg1[%get3A_196, %get3A_197] : memref<32x16xf32, #tpu.memory_space<vmem>>, vector<1x16xf32>
    %gt3A_199 = arith.constant 0xFF800000 : f32
    %gt3A_200 = vector.broadcast %gt3A_199 : f32 to vector<1x16xf32>
    %gt3A_201 = arith.cmpf ogt, %get3A_198, %gt3A_200 : vector<1x16xf32>
    %select_n3A_202 = arith.select %gt3A_201, %get3A_198, %select_n3A_195 : vector<1x16xi1>, vector<1x16xf32>
    %get3A_203 = arith.constant 30 : index
    %get3A_204 = arith.constant 0 : index
    %get3A_205 = vector.load %arg1[%get3A_203, %get3A_204] : memref<32x16xf32, #tpu.memory_space<vmem>>, vector<1x16xf32>
    %gt3A_206 = arith.constant 0xFF800000 : f32
    %gt3A_207 = vector.broadcast %gt3A_206 : f32 to vector<1x16xf32>
    %gt3A_208 = arith.cmpf ogt, %get3A_205, %gt3A_207 : vector<1x16xf32>
    %select_n3A_209 = arith.select %gt3A_208, %get3A_205, %select_n3A_202 : vector<1x16xi1>, vector<1x16xf32>
    %get3A_210 = arith.constant 31 : index
    %get3A_211 = arith.constant 0 : index
    %get3A_212 = vector.load %arg1[%get3A_210, %get3A_211] : memref<32x16xf32, #tpu.memory_space<vmem>>, vector<1x16xf32>
    %gt3A_213 = arith.constant 0xFF800000 : f32
    %gt3A_214 = vector.broadcast %gt3A_213 : f32 to vector<1x16xf32>
    %gt3A_215 = arith.cmpf ogt, %get3A_212, %gt3A_214 : vector<1x16xf32>
    %select_n3A_216 = arith.select %gt3A_215, %get3A_212, %select_n3A_209 : vector<1x16xi1>, vector<1x16xf32>
    %slice3A = vector.extract_strided_slice %select_n3A_216 {offsets = [0, 0], sizes = [1, 8], strides = [1, 1]} : vector<1x16xf32> to vector<1x8xf32>
    %slice3A_217 = vector.extract_strided_slice %select_n3A_216 {offsets = [0, 8], sizes = [1, 8], strides = [1, 1]} : vector<1x16xf32> to vector<1x8xf32>
    %max3A = arith.maximumf %slice3A, %slice3A_217 : vector<1x8xf32>
    %sub3A = arith.subf %slice3A, %max3A : vector<1x8xf32>
    %exp3A = math.exp %sub3A : vector<1x8xf32>
    %sub3A_218 = arith.subf %slice3A_217, %max3A : vector<1x8xf32>
    %exp3A_219 = math.exp %sub3A_218 : vector<1x8xf32>
    %add3A = arith.addf %exp3A, %exp3A_219 : vector<1x8xf32>
    %div3A = arith.divf %exp3A, %add3A : vector<1x8xf32>
    %div3A_220 = arith.divf %exp3A_219, %add3A : vector<1x8xf32>
    %iota3A = tpu.iota {dimensions = array<i32: 0>} : vector<8x8xi32>
    %iota3A_221 = tpu.iota {dimensions = array<i32: 1>} : vector<8x8xi32>
    %eq3A = arith.cmpi eq, %iota3A, %iota3A_221 : vector<8x8xi32>
    %broadcast_in_dim3A = vector.shape_cast %div3A : vector<1x8xf32> to vector<1x8xf32>
    %broadcast_in_dim3A_222 = vector.broadcast %broadcast_in_dim3A : vector<1x8xf32> to vector<8x8xf32>
    %jit3A = arith.constant 0.000000e+00 : f32
    %broadcast_in_dim3A_223 = vector.broadcast %jit3A : f32 to vector<8x8xf32>
    %select_n3A_224 = arith.select %eq3A, %broadcast_in_dim3A_222, %broadcast_in_dim3A_223 : vector<8x8xi1>, vector<8x8xf32>
    %broadcast_in_dim3A_225 = vector.shape_cast %div3A_220 : vector<1x8xf32> to vector<1x8xf32>
    %broadcast_in_dim3A_226 = vector.broadcast %broadcast_in_dim3A_225 : vector<1x8xf32> to vector<8x8xf32>
    %jit3A_227 = arith.constant 0.000000e+00 : f32
    %broadcast_in_dim3A_228 = vector.broadcast %jit3A_227 : f32 to vector<8x8xf32>
    %select_n3A_229 = arith.select %eq3A, %broadcast_in_dim3A_226, %broadcast_in_dim3A_228 : vector<8x8xi1>, vector<8x8xf32>
    %get3A_230 = arith.constant 0 : index
    %get3A_231 = arith.constant 0 : index
    %get3A_232 = arith.constant 0 : index
    %get3A_233 = vector.load %arg2[%get3A_230, %get3A_231, %get3A_232] : memref<2x8x768xf32, #tpu.memory_space<vmem>>, vector<1x8x768xf32>
    %get3A_234 = vector.shape_cast %get3A_233 : vector<1x8x768xf32> to vector<8x768xf32>
    %dot_general3A = arith.constant dense<0.000000e+00> : vector<8x768xf32>
    %dot_general3A_235 = tpu.matmul %select_n3A_224, %get3A_234, %dot_general3A {dimension_numbers = #tpu.dot_dimension_numbers<[1], [0], [0], [1], [0, 0, 1, 1], [], []>, transpose_lhs_hint = false} : vector<8x8xf32>, vector<8x768xf32>, vector<8x768xf32> -> vector<8x768xf32>
    %get3A_236 = arith.constant 1 : index
    %get3A_237 = arith.constant 0 : index
    %get3A_238 = arith.constant 0 : index
    %get3A_239 = vector.load %arg2[%get3A_236, %get3A_237, %get3A_238] : memref<2x8x768xf32, #tpu.memory_space<vmem>>, vector<1x8x768xf32>
    %get3A_240 = vector.shape_cast %get3A_239 : vector<1x8x768xf32> to vector<8x768xf32>
    %dot_general3A_241 = arith.constant dense<0.000000e+00> : vector<8x768xf32>
    %dot_general3A_242 = tpu.matmul %select_n3A_229, %get3A_240, %dot_general3A_241 {dimension_numbers = #tpu.dot_dimension_numbers<[1], [0], [0], [1], [0, 0, 1, 1], [], []>, transpose_lhs_hint = false} : vector<8x8xf32>, vector<8x768xf32>, vector<8x768xf32> -> vector<8x768xf32>
    %add3A_243 = arith.addf %dot_general3A_235, %dot_general3A_242 : vector<8x768xf32>
    %swap3A = arith.constant 0 : index
    %swap3A_244 = arith.constant 0 : index
    %swap3A_245 = vector.load %arg4[%swap3A, %swap3A_244] : memref<8x768xf32, #tpu.memory_space<vmem>>, vector<8x768xf32>
    tpu.vector_store %arg4[%swap3A, %swap3A_244], %add3A_243 {strides = array<i32>} : memref<8x768xf32, #tpu.memory_space<vmem>>, vector<8x768xf32>,
    return
  }
  func.func @transform_0(%arg0: i32) -> (i32, i32) {
    %c0_i32 = arith.constant 0 : i32
    %c0_i32_0 = arith.constant 0 : i32
    %c0_i32_1 = arith.constant 0 : i32
    return %c0_i32, %c0_i32_0 : i32, i32
  }
  func.func @transform_1(%arg0: i32) -> (i32, i32, i32) {
    %c0_i32 = arith.constant 0 : i32
    %c0_i32_0 = arith.constant 0 : i32
    %c0_i32_1 = arith.constant 0 : i32
    %c0_i32_2 = arith.constant 0 : i32
    return %c0_i32, %c0_i32_0, %c0_i32_1 : i32, i32, i32
  }
  func.func @transform_2(%arg0: i32) -> (i32, i32) {
    %c0_i32 = arith.constant 0 : i32
    %c0_i32_0 = arith.constant 0 : i32
    %c0_i32_1 = arith.constant 0 : i32
    return %c0_i32, %c0_i32_0 : i32, i32
  }
  func.func @transform_3(%arg0: i32) -> (i32, i32) {
    %c0_i32 = arith.constant 0 : i32
    %c0_i32_0 = arith.constant 0 : i32
    %c0_i32_1 = arith.constant 0 : i32
    return %c0_i32, %c0_i32_0 : i32, i32
  }
}

module attributes {stable_mosaic.version = 14 : i64} {
  func.func @_gate_kernel(%arg0: memref<2048x768xf32, #tpu.memory_space<vmem>>, %arg1: memref<8x768xf32, #tpu.memory_space<vmem>>, %arg2: memref<1x8xf32, #tpu.memory_space<vmem>>, %arg3: memref<2048x128xf32, #tpu.memory_space<vmem>>) attributes {dimension_semantics = [], scalar_prefetch = 0 : i64, scratch_operands = 0 : i64, tpu.core_type = #tpu.core_type<tc>} {
    %get3A = arith.constant 0 : index
    %get3A_0 = arith.constant 0 : index
    %get3A_1 = vector.load %arg0[%get3A, %get3A_0] : memref<2048x768xf32, #tpu.memory_space<vmem>>, vector<2048x768xf32>
    %convert_element_type3A = arith.truncf %get3A_1 : vector<2048x768xf32> to vector<2048x768xbf16>
    %get3A_2 = arith.constant 0 : index
    %get3A_3 = arith.constant 0 : index
    %get3A_4 = vector.load %arg1[%get3A_2, %get3A_3] : memref<8x768xf32, #tpu.memory_space<vmem>>, vector<8x768xf32>
    %convert_element_type3A_5 = arith.truncf %get3A_4 : vector<8x768xf32> to vector<8x768xbf16>
    %dot_general3A = arith.constant dense<0.000000e+00> : vector<2048x8xf32>
    %dot_general3A_6 = tpu.matmul %convert_element_type3A, %convert_element_type3A_5, %dot_general3A {dimension_numbers = #tpu.dot_dimension_numbers<[1], [1], [0], [0], [0, 0, 1, 0], [], []>, transpose_lhs_hint = false} : vector<2048x768xbf16>, vector<8x768xbf16>, vector<2048x8xf32> -> vector<2048x8xf32>
    %get3A_7 = arith.constant 0 : index
    %get3A_8 = arith.constant 0 : index
    %get3A_9 = vector.load %arg2[%get3A_7, %get3A_8] : memref<1x8xf32, #tpu.memory_space<vmem>>, vector<1x8xf32>
    %add3A = vector.broadcast %get3A_9 : vector<1x8xf32> to vector<2048x8xf32>
    %add3A_10 = arith.addf %dot_general3A_6, %add3A : vector<2048x8xf32>
    %broadcast_in_dim3A = arith.constant 0xFF800000 : f32
    %broadcast_in_dim3A_11 = vector.broadcast %broadcast_in_dim3A : f32 to vector<2048x120xf32>
    %concatenate3A = tpu.concatenate %add3A_10, %broadcast_in_dim3A_11 in 1 : vector<2048x8xf32>, vector<2048x120xf32> -> vector<2048x128xf32>
    %swap3A = arith.constant 0 : index
    %swap3A_12 = arith.constant 0 : index
    %swap3A_13 = vector.load %arg3[%swap3A, %swap3A_12] : memref<2048x128xf32, #tpu.memory_space<vmem>>, vector<2048x128xf32>
    tpu.vector_store %arg3[%swap3A, %swap3A_12], %concatenate3A {strides = array<i32>} : memref<2048x128xf32, #tpu.memory_space<vmem>>, vector<2048x128xf32>,
    return
  }
}

</mosaic_0001>

<sc_bundles>
// kernel: kernel.6.cloned.1.call-start
scs
__scs_entry_jumppad:
0x0: {  	(pc) =	sbr.rel $0x88, $3  }
0x1: {  	(tag) =	ssettag $0x0;
	lr =	simm.s32 $0x1  }
0x2: {  	[smem:$0x3F9A] =	sst lr;
	_ =	strace $0xD0000000  }
0x3: {  	_ = 	snop  }
0x4: {  	_ = 	snop  }
0x5: {  	_ = 	snop  }
0x6: {  	_ = 	snop  }
0x7: {  	_ = 	snop  }
__scs_overlays_trampoline_lowered:
0x8: {  	[smem:$0x3FA9] =	sst s0  }
0x9: {  	[smem:$0x3FAA] =	sst s1  }
0xa: {  	[smem:$0x3FAB] =	sst s2  }
0xb: {  	[smem:$0x3FAC] =	sst s3  }
0xc: {  	[smem:$0x3FAD] =	sst s4  }
0xd: {  	[smem:$0x3FAE] =	sst s5  }
0xe: {  	[smem:$0x3FAF] =	sst s6  }
0xf: {  	[smem:$0x3FB0] =	sst s7  }
0x10: {  	[smem:$0x3FB1] =	sst s8  }
0x11: {  	[smem:$0x3FB2] =	sst s9;
	s0 =	simm.s32 @!p0 $0x0  }
0x12: {  	s1 =	sld [smem:$0x3F98];
	s0 =	simm.s32 @p0 $0x1  }
0x13: {  	[smem:$0x3FB3] =	sst s0;
	s0 =	simm.s32 @!p1 $0x0  }
0x14: {  	s2 =	sld [smem:$0x3F97];
	s0 =	simm.s32 @p1 $0x1  }
0x15: {  	[smem:$0x3FB4] =	sst s0;
	s0 =	simm.s32 @!p2 $0x0  }
0x16: {  	s3 =	sld [smem:$0x3FDB];
	s0 =	simm.s32 @p2 $0x1  }
0x17: {  	s4 =	simm.s32 $0x1BF5;
	[smem:$0x3FB6] =	sst s0  }
0x18: {  	s0 =	sld [smem:$0x3F99];
	_ =	swait.ge [sflag:s4], $0x0  }
0x19: {  	s7 =	sld [smem:$0x3F9A]  }
0x1a: {  	s8 =	sadd.s32 $0xFFFFE003, lr  }
0x1b: {  	s9 =	sadd.s32 $0xFFFFFEF7, lr;
	s5 =	simm.s32 $0xFFFFFFFF;
	p2 =	slt.u32 s8, $0xFFFFF086  }
0x1c: {  	p1 =	slt.u32 s9, $0xF7A;
	s5 =	simm.s32 @!p2 $0x0  }
0x1d: {  	s5 =	simm.s32 @p1 $0x1;
	p0 =	seq.s32 s7, s2  }
0x1e: {  	s7 =	smul.u32 @!p0 $0xF7A, s2;
	p2 =	seq.s32 @!p0 s5, $0x0  }
0x1f: {  	s9 =	smul.u32 $0xF7A, s1;
	s8 =	simm.s32 @!p0 $0x1BF5;
	p2 =	por !p2, p0  }
0x20: {  	[sflag:s8] =	ssyncset.s32 @!p0 $0xFFFFF086;
	s6 =	sadd.s32 @!p0 s3, s7;
	s7 =	simm.s32 @!p0 $0x108  }
0x21: {  	s3 =	sadd.s32 s3, s9;
	s6 =	sadd.s32 @!p0 $0x88, s6;
	s7 =	simm.s32 @p2 $0x1082  }
0x22: {  	[simem:s7], [sflag:s8] =	dma.local @!p0 [hbm:s6], $0xF7A  }
0x23: {  	s9 =	sor.u32 $0xD0000000, s2;
	s6 =	simm.s32 $0x108;
	_ =	swait.ge @!p0 [sflag:s8], $0x0  }
0x24: {  	s3 =	sadd.s32 $0x88, s3;
	s6 =	simm.s32 @!p1 $0x1082;
	[sflag:s4] =	ssyncset.s32 $0xFFFFF086  }
0x25: {  	[simem:s6], [sflag:s4] =	dma.local [hbm:s3], $0xF7A  }
0x26: {  	[smem:$0x3F9A] =	sst s1;
	(tag) =	ssettag s2;
	_ =	strace s9  }
0x27: {  	s1 =	sld [smem:$0x3FAA]  }
0x28: {  	s2 =	sld [smem:$0x3FAB]  }
0x29: {  	s4 =	sld [smem:$0x3FAD]  }
0x2a: {  	p0 =	seq.s32 s5, $0x0;
	s5 =	sld [smem:$0x3FAE]  }
0x2b: {  	s6 =	sld [smem:$0x3FAF]  }
0x2c: {  	s7 =	sld [smem:$0x3FB0]  }
0x2d: {  	s3 =	simm.s32 $0x108;
	s8 =	sld [smem:$0x3FB1]  }
0x2e: {  	s3 =	simm.s32 @!p0 $0x1082;
	s9 =	sld [smem:$0x3FB2]  }
0x2f: {  	lr =	sadd.s32 s0, s3;
	s0 =	sld [smem:$0x3FA9]  }
0x30: {  	s3 =	sld [smem:$0x3FAC]  }
0x31: {  	[smem:$0x3FB5] =	sst s10  }
0x32: {  	s10 =	sld [smem:$0x3FB3];
	_ =	sdelay $0x3  }
0x33: {  	p0 =	seq.s32 s10, $0x1;
	s10 =	sld [smem:$0x3FB5];
	_ =	sdelay $0x3  }
0x34: {  	[smem:$0x3FB5] =	sst s10  }
0x35: {  	s10 =	sld [smem:$0x3FB4];
	_ =	sdelay $0x3  }
0x36: {  	p1 =	seq.s32 s10, $0x1;
	s10 =	sld [smem:$0x3FB5];
	_ =	sdelay $0x3  }
0x37: {  	[smem:$0x3FB5] =	sst s10  }
0x38: {  	s10 =	sld [smem:$0x3FB6]  }
0x39: {  	_ = 	snop;
	(pc) =	sbr.ind lr, $3  }
0x3a: {  	_ = 	snop  }
0x3b: {  	_ = 	snop  }
0x3c: {  	p2 =	seq.s32 s10, $0x1;
	s10 =	sld [smem:$0x3FB5]  }
0x3d: {  	_ =	shalt  }
0x3e: {  	_ =	shalt  }
0x3f: {  	_ =	shalt  }
0x40: {  	_ =	shalt  }
0x41: {  	_ =	shalt  }
0x42: {  	_ =	shalt  }
0x43: {  	_ =	shalt  }
0x44: {  	_ =	shalt  }
0x45: {  	_ =	shalt  }
0x46: {  	_ =	shalt  }
0x47: {  	_ =	shalt  }
0x48: {  	_ =	shalt  }
0x49: {  	_ =	shalt  }
0x4a: {  	_ =	shalt  }
0x4b: {  	_ =	shalt  }
0x4c: {  	_ =	shalt  }
0x4d: {  	_ =	shalt  }
0x4e: {  	_ =	shalt  }
0x4f: {  	_ =	shalt  }
0x50: {  	_ =	shalt  }
0x51: {  	_ =	shalt  }
0x52: {  	_ =	shalt  }
0x53: {  	_ =	shalt  }
0x54: {  	_ =	shalt  }
0x55: {  	_ =	shalt  }
0x56: {  	_ =	shalt  }
0x57: {  	_ =	shalt  }
0x58: {  	_ =	shalt  }
0x59: {  	_ =	shalt  }
0x5a: {  	_ =	shalt  }
0x5b: {  	_ =	shalt  }
0x5c: {  	_ =	shalt  }
0x5d: {  	_ =	shalt  }
0x5e: {  	_ =	shalt  }
0x5f: {  	_ =	shalt  }
0x60: {  	_ =	shalt  }
0x61: {  	_ =	shalt  }
0x62: {  	_ =	shalt  }
0x63: {  	_ =	shalt  }
0x64: {  	_ =	shalt  }
0x65: {  	_ =	shalt  }
0x66: {  	_ =	shalt  }
0x67: {  	_ =	shalt  }
0x68: {  	_ =	shalt  }
0x69: {  	_ =	shalt  }
0x6a: {  	_ =	shalt  }
0x6b: {  	_ =	shalt  }
0x6c: {  	_ =	shalt  }
0x6d: {  	_ =	shalt  }
0x6e: {  	_ =	shalt  }
0x6f: {  	_ =	shalt  }
0x70: {  	_ =	shalt  }
0x71: {  	_ =	shalt  }
0x72: {  	_ =	shalt  }
0x73: {  	_ =	shalt  }
0x74: {  	_ =	shalt  }
0x75: {  	_ =	shalt  }
0x76: {  	_ =	shalt  }
0x77: {  	_ =	shalt  }
0x78: {  	_ =	shalt  }
0x79: {  	_ =	shalt  }
0x7a: {  	_ =	shalt  }
0x7b: {  	_ =	shalt  }
0x7c: {  	_ =	shalt  }
0x7d: {  	_ =	shalt  }
0x7e: {  	_ =	shalt  }
0x7f: {  	_ =	shalt  }
0x80: {  	_ =	shalt  }
0x81: {  	_ =	shalt  }
0x82: {  	_ =	shalt  }
0x83: {  	_ =	shalt  }
0x84: {  	_ =	shalt  }
0x85: {  	_ =	shalt  }
0x86: {  	_ =	shalt  }
0x87: {  	_ =	shalt  }
.Lfunc_end0:
.L_simem_size_0:
called_computation_lowered:
.L_overlay_start_0:
0x88: {  	s2 =	sld [smem:$0x3FD9]  }
0x89: {  	s3 =	sld [smem:$0x3FFE];
	_ =	sdelay $0x1  }
0x8a: {  	s1 =	srdreg.scid  }
0x8b: {  	s0 =	sand.u32 $0x1, s1  }
0x8c: {  	s16 =	sshll.u32 s0, $0xA;
	s2 =	sadd.s32 s3, s2  }
0x8d: {  	s2 =	sadd.s32 s2, s16  }
0x8e: {  	[smem:$0x3FC1] =	sst s2  }
0x8f: {  	_ = 	snop  }
0x90: {  	(tm) =	ssettm $0x1  }
0x91: {  	s17 =	sld [smem:$0x3FFB];
	_ =	sdelay $0x3  }
0x92: {  	_ =	strace s17  }
0x93: {  	s2 =	sld [smem:$0x3FFC];
	_ =	sdelay $0x3  }
0x94: {  	_ =	strace s2  }
0x95: {  	s2 =	sld [smem:$0x3FFD];
	_ =	sdelay $0x3  }
0x96: {  	_ =	strace s2  }
0x97: {  	_ =	strace $0x8FFFFFFF  }
0x98: {  	s18 =	sld [smem:$0x3FDB];
	_ =	sdelay $0x1  }
0x99: {  	s19 =	simm.s32 $_scs_section_size  }
0x9a: {  	s4 =	simm.s32 $_size__tile_overlayer_lowered;
	s5 =	simm.s32 $_tile_overlayer_lowered  }
0x9b: {  	s22 =	simm.s32 $0x1BFF;
	s21 =	sshll.u32 s5, $0x1;
	s2 =	sadd.s32 s19, s18  }
0x9c: {  	s6 =	simm.s32 $0x0;
	s20 =	sshll.u32 s4, $0x1;
	s4 =	sadd.s32 s21, s2  }
0x9d: {  	[timem:s6], [sflag:s22] =	dma.local [hbm:s4], s20  }
0x9e: {  	_ =	swait.ge [sflag:s22], s20  }
0x9f: {  	s3 =	ssub.s32 $0x0, s20;
	[sflag:s22] =	ssyncset.done $0x0  }
0xa0: {  	[sflag:s22] =	ssyncadd.s32 s3;
	_ =	sdelay $0x1  }
0xa1: {  	s23 =	simm.s32 $0x1B8B  }
0xa2: {  	_ =	swait.ge [sflag:s23], $0x1  }
0xa3: {  	[sflag:s23] =	ssyncset.done $0x0  }
0xa4: {  	s25 =	simm.s32 $0x1B8E;
	s24 =	sld [smem:$0x3FFE];
	[sflag:s23] =	ssyncadd.s32 $0xFFFFFFFF  }
0xa5: {  	s26 =	simm.s32 $execute0_lowered;
	[smem:$0x3FD2] =	sst s25  }
0xa6: {  	s4 =	sshll.u32 s26, $0x1;
	_ =	strace $0x80000046;
	[dreg:$0x1] =	wrdreg $0xFFFFFFFF  }
0xa7: {  	s28 =	simm.s32 $_size_execute0_lowered;
	s2 =	sadd.s32 s2, s4;
	[dreg:$0x0] =	wrdreg $0x0  }
0xa8: {  	s4 =	sshll.u32 s28, $0x1;
	[dreg:$0x2] =	wrdreg s2  }
0xa9: {  	[dreg:$0x3] =	wrdreg s4  }
0xaa: {  	[dreg:$0x4] =	wrdreg $0xC0  }
0xab: {  	_ =	task [dreg:s6], $0x5FFFF  }
0xac: {  	[dreg:$0x1] =	wrdreg $0xFFFFFFFF  }
0xad: {  	[dreg:$0x0] =	wrdreg $0x60  }
0xae: {  	[dreg:$0x2] =	wrdreg s24  }
0xaf: {  	[dreg:$0x3] =	wrdreg $0x9  }
0xb0: {  	_ =	task.clear_ibuf [dreg:s6], $0x4FFFF;
	_ =	strace $0x90000046  }
0xb1: {  	s29 =	simm.s32 $0x9;
	_ =	strace $0x80000048  }
0xb2: {  	_ =	swait.ge [sflag:s29], $0x1  }
0xb3: {  	[sflag:s29] =	ssyncadd.s32 $0xFFFFFFFF  }
0xb4: {  	_ =	strace $0x90000048  }
0xb5: {  	_ =	sfence  }
0xb6: {  	s30 =	sld [smem:$0x0];
	_ =	sdelay $0x2  }
0xb7: {  	s31 =	sshll.u32 s1, $0xD;
	s1 =	sshrl.u32 s1, $0x2  }
0xb8: {  	s3 =	sand.u32 $0x4000, s31;
	s1 =	sadd.s32 s1, s30  }
0xb9: {  	s0 =	sor.u32 s3, s0;
	s1 =	sshll.u32 s1, $0x11  }
0xba: {  	s0 =	sor.u32 s1, s0  }
0xbb: {  	s0 =	sadd.s32 $0x8F2B, s0  }
0xbc: {  	[sflag:s0] =	ssyncadd.remote.s32 $0x1  }
0xbd: {  	_ =	sfence.sel $0xFFFF  }
0xbe: {  	[dreg:$0x0] =	wrdreg $0xFFFFFFFF;
	(pc) =	sbr.abs _section_cstart, $3  }
0xbf: {  	[dreg:$0x1] =	wrdreg $0xFFFFFFFF  }
0xc0: {  	_ =	task.clear_ibuf [dreg:s6], $0x2FFFF;
	_ =	strace $0x9FFFFFFF  }
0xc1: {  	(tm) =	ssettm $0x7FFFFFFF  }
tec
execute0_lowered:
.L_overlay_start_1:
0x0: {  	(tag) =	ssettag $0x1  }
0x1: {  	s3 =	rddreg [dreg:$0x0]  }
0x2: {  	s1 =	srdreg.scid;
	s0 =	rddreg [dreg:$0x1];
	s2 =	simm.s32 $0x0  }
0x3: {  	s4 =	sand.u32 $0x1, s1;
	[smem:$0x7FF] =	sst s2  }
0x4: {  	s1 =	stileid.u32;
	s5 =	sshll.u32 s4, $0x4;
	_ =	strace $0x80000047  }
0x5: {  	s7 =	sshll.u32 s1, $0x4;
	s4 =	ssub.s32 $0x2, s4;
	s5 =	sor.u32 s1, s5  }
0x6: {  	s7 =	sand.u32 $0x70, s7;
	s8 =	sshrl.u32 s4, $0x1;
	s6 =	sshll.u32 s5, $0xA  }
0x7: {  	s5 =	sshll.u32 s5, $0x4;
	s7 =	sadd.s32 s7, s3;
	s30 =	ssub.s32 s4, s8  }
0x8: {  	s8 =	simm.s32 $0x0;
	s5 =	sand.u32 $0x180, s5;
	s3 =	sadd.s32 s6, s3  }
0x9: {  	s6 =	simm.s32 $0x1;
	s31 =	sadd.s32 s5, s7;
	s3 =	sadd.s32 $0x1600, s3  }
0xa: {  	v0 =	vlaneseq.u32;
	s5 =	smax.u32 s30, $0x1;
	s7 =	simm.s32 $0x2000;
	s4 =	sadd.s32 $0x9600, s31  }
.LBB2_1:
0xb: {  	[tilespmem:s2], [sflag:$0x1] =	stream.linear.gather [hbm4b:s3+s2], $0x2000, $0x38;
	[tilespmem:$0x2080] =	vst v63  }
0xc: {  	_ =	swait.ge [sflag:s6], $0x2000  }
0xd: {  	[sflag:s6] =	ssyncset.done $0x0  }
0xe: {  	s9 =	simm.s32 $0x0;
	[sflag:s6] =	ssyncadd.s32 $0xFFFFE000  }
0xf: {  	v1 =	vld [tilespmem:s9+$0x0];
	_ =	sdelay $0x4  }
0x10: {  	(v2sf) =	vpush v1, $0x7  }
0x11: {  	(v2sf) =	vpush v1, $0x0  }
0x12: {  	(v2sf) =	vpush v1, $0x1;
	_ =	sdelay $0x3  }
0x13: {  	(v2sf) =	vpush v1, $0x2  }
0x14: {  	(v2sf) =	vpush v1, $0x6  }
0x15: {  	(v2sf) =	vpush v1, $0x3;
	_ =	sdelay $0x5  }
0x16: {  	(v2sf) =	vpush v1, $0x4  }
0x17: {  	s9 =	spop (v2sf)  }
0x18: {  	s14 =	spop (v2sf)  }
0x19: {  	s11 =	spop (v2sf)  }
0x1a: {  	(v2sf) =	vpush v1, $0x5;
	p1 =	sgt.f32 s11, $-Inf  }
0x1b: {  	p3 =	sgt.f32 s11, s14;
	s10 =	smov.u32 s11  }
0x1c: {  	s10 =	simm.s32 @!p1 $0xFF800000  }
0x1d: {  	s12 =	simm.s32 $0x1;
	s13 =	spop (v2sf);
	s10 =	smov.u32 @p3 s14  }
0x1e: {  	s15 =	spop (v2sf);
	s14 =	smov.u32 @p3 s11;
	p2 =	sgt.f32 s13, s10  }
0x1f: {  	s31 =	simm.s32 $0x80;
	s16 =	spop (v2sf);
	p0 =	sgt.f32 s13, s14  }
0x20: {  	p4 =	por !p3, !p3;
	s11 =	simm.s32 $0x1;
	s10 =	smov.u32 @p2 s13  }
0x21: {  	p1 =	por !p1, !p4;
	s11 =	simm.s32 @!p3 $0x0;
	s10 =	smov.u32 @p0 s14  }
0x22: {  	p1 =	por !p1, !p1;
	s14 =	smov.u32 @p0 s13;
	p3 =	sgt.f32 s16, s10  }
0x23: {  	v2 =	vld [tilespmem:s31+$0x0];
	s12 =	simm.s32 @!p1 $0x0;
	p1 =	sgt.f32 s16, s14  }
0x24: {  	s10 =	smov.u32 @p3 s16  }
0x25: {  	s17 =	spop (v2sf);
	s10 =	smov.u32 @p1 s14  }
0x26: {  	s12 =	simm.s32 @p2 $0x2;
	s14 =	smov.u32 @p1 s16;
	p2 =	sgt.f32 s17, s10  }
0x27: {  	s12 =	smov.u32 @p0 s11;
	s11 =	simm.s32 @p0 $0x2;
	p0 =	sgt.f32 s17, s14  }
0x28: {  	(v2sf) =	vpush v2, $0x7;
	s12 =	simm.s32 @p3 $0x3;
	s10 =	smov.u32 @p2 s17  }
0x29: {  	(v2sf) =	vpush v2, $0x0;
	s16 =	spop (v2sf);
	s12 =	smov.u32 @p1 s11;
	s10 =	smov.u32 @p0 s14  }
0x2a: {  	(v2sf) =	vpush v2, $0x1;
	s12 =	simm.s32 @p2 $0x4;
	s14 =	smov.u32 @p0 s17;
	p2 =	sgt.f32 s16, s10  }
0x2b: {  	s11 =	simm.s32 @p1 $0x3;
	p1 =	sgt.f32 s16, s14  }
0x2c: {  	(v2sf) =	vpush v2, $0x2;
	s10 =	smov.u32 @p2 s16  }
0x2d: {  	(v2sf) =	vpush v2, $0x6;
	s12 =	smov.u32 @p0 s11;
	s13 =	smov.u32 s14;
	s10 =	smov.u32 @p1 s14  }
0x2e: {  	(v2sf) =	vpush v2, $0x3;
	s13 =	smov.u32 @p1 s16;
	s12 =	simm.s32 @p2 $0x5;
	p2 =	sgt.f32 s15, s10  }
0x2f: {  	s11 =	simm.s32 @p0 $0x4;
	p0 =	sgt.f32 s15, s13  }
0x30: {  	s10 =	smov.u32 @p2 s15  }
0x31: {  	(v2sf) =	vpush v2, $0x4;
	s12 =	smov.u32 @p1 s11;
	s11 =	simm.s32 @p1 $0x5;
	s10 =	smov.u32 @p0 s13  }
0x32: {  	s12 =	simm.s32 @p2 $0x6;
	s13 =	smov.u32 @p0 s15;
	p2 =	sgt.f32 s9, s10  }
0x33: {  	s12 =	smov.u32 @p0 s11;
	p1 =	sgt.f32 s9, s13  }
0x34: {  	(v2sf) =	vpush v2, $0x5;
	s11 =	simm.s32 @p0 $0x6;
	s15 =	simm.s32 $0x400;
	s12 =	simm.s32 @p2 $0x7  }
0x35: {  	v1 =	vimm.f32 $-Inf;
	s10 =	smov.u32 @p2 s9;
	s12 =	smov.u32 @p1 s11;
	s11 =	simm.s32 @p1 $0x7  }
.LBB2_2:
0x36: {  	s17 =	smov.u32 s13;
	v2 =	vmov s11;
	s11 =	sadd.s32 $0x8, s12  }
0x37: {  	s18 =	smov.u32 s15;
	s17 =	smov.u32 @p1 s9;
	s9 =	spop (v2sf)  }
0x38: {  	s14 =	sadd.s32 $0x200, s15;
	s10 =	smov.u32 @p1 s13;
	vm0 =	veq.s32 v2, v0;
	v2 =	vmov s11;
	s16 =	spop (v2sf)  }
0x39: {  	s11 =	spop (v2sf)  }
0x3a: {  	p0 =	sne.s32 s15, $0x7E00;
	v1 =	vsel vm0, s17, v1;
	vm0 =	veq.s32 v2, v0;
	p1 =	sgt.f32 s11, $-Inf  }
0x3b: {  	v1 =	vsel vm0, s10, v1;
	s13 =	spop (v2sf);
	p2 =	sgt.f32 s11, s16  }
0x3c: {  	s12 =	simm.s32 $0x1;
	s10 =	smov.u32 s11;
	s15 =	spop (v2sf)  }
0x3d: {  	s10 =	simm.s32 @!p1 $0xFF800000;
	s17 =	spop (v2sf);
	p3 =	por !p2, !p2  }
0x3e: {  	s10 =	smov.u32 @p2 s16;
	s16 =	smov.u32 @p2 s11;
	p3 =	por !p1, !p3  }
0x3f: {  	s11 =	simm.s32 $0x1;
	p1 =	sgt.f32 s13, s16;
	p4 =	sgt.f32 s13, s10  }
0x40: {  	p3 =	por !p3, !p3;
	s11 =	simm.s32 @!p2 $0x0;
	s19 =	spop (v2sf)  }
0x41: {  	s12 =	simm.s32 @!p3 $0x0;
	s10 =	smov.u32 @p4 s13  }
0x42: {  	s12 =	simm.s32 @p4 $0x2;
	s10 =	smov.u32 @p1 s16  }
0x43: {  	s18 =	sshra.s32 s18, $0x2;
	p2 =	sgt.f32 s17, s10;
	s20 =	spop (v2sf)  }
0x44: {  	s12 =	smov.u32 @p1 s11;
	s16 =	smov.u32 @p1 s13;
	v2 =	vld [tilespmem:s18+$0x0]  }
0x45: {  	p4 =	sgt.f32 s17, s16;
	s10 =	smov.u32 @p2 s17  }
0x46: {  	s11 =	simm.s32 @p1 $0x2;
	s12 =	simm.s32 @p2 $0x3  }
0x47: {  	s10 =	smov.u32 @p4 s16;
	s16 =	smov.u32 @p4 s17  }
0x48: {  	p1 =	sgt.f32 s19, s16;
	p3 =	sgt.f32 s19, s10  }
0x49: {  	s12 =	smov.u32 @p4 s11;
	s11 =	simm.s32 @p4 $0x3;
	s17 =	smov.u32 s16;
	(v2sf) =	vpush v2, $0x7  }
0x4a: {  	s10 =	smov.u32 @p3 s19;
	s17 =	smov.u32 @p1 s19;
	(v2sf) =	vpush v2, $0x0  }
0x4b: {  	s10 =	smov.u32 @p1 s16;
	p2 =	sgt.f32 s20, s17;
	(v2sf) =	vpush v2, $0x1  }
0x4c: {  	s12 =	simm.s32 @p3 $0x4;
	s13 =	smov.u32 s17;
	p3 =	sgt.f32 s20, s10;
	(v2sf) =	vpush v2, $0x2  }
0x4d: {  	s12 =	smov.u32 @p1 s11;
	s13 =	smov.u32 @p2 s20;
	(v2sf) =	vpush v2, $0x6  }
0x4e: {  	s10 =	smov.u32 @p3 s20;
	s12 =	simm.s32 @p3 $0x5;
	(v2sf) =	vpush v2, $0x3  }
0x4f: {  	s11 =	simm.s32 @p1 $0x4;
	s10 =	smov.u32 @p2 s17  }
0x50: {  	p1 =	sgt.f32 s15, s13;
	p3 =	sgt.f32 s15, s10  }
0x51: {  	s12 =	smov.u32 @p2 s11;
	s11 =	simm.s32 @p2 $0x5;
	(v2sf) =	vpush v2, $0x4  }
0x52: {  	s10 =	smov.u32 @p3 s15;
	s12 =	simm.s32 @p3 $0x6  }
.Ltmp0:
0x53: {  	s10 =	smov.u32 @p1 s13;
	s13 =	smov.u32 @p1 s15;
	(pc) =	sbr.rel @p0 .LBB2_2-.Ltmp0, $4  }
0x54: {  	s12 =	smov.u32 @p1 s11;
	p2 =	sgt.f32 s9, s10;
	(v2sf) =	vpush v2, $0x5  }
0x55: {  	s11 =	simm.s32 @p1 $0x6;
	p1 =	sgt.f32 s9, s13  }
0x56: {  	s10 =	smov.u32 @p2 s9;
	s12 =	simm.s32 @p2 $0x7  }
0x57: {  	s15 =	smov.u32 s14;
	s12 =	smov.u32 @p1 s11;
	s11 =	simm.s32 @p1 $0x7  }
0x58: {  	s15 =	spop (v2sf)  }
0x59: {  	s16 =	spop (v2sf)  }
0x5a: {  	s17 =	spop (v2sf)  }
0x5b: {  	p5 =	sgt.f32 s17, $-Inf  }
0x5c: {  	p6 =	sgt.f32 s17, s16;
	s14 =	smov.u32 s17  }
0x5d: {  	s14 =	simm.s32 @!p5 $0xFF800000  }
0x5e: {  	s18 =	spop (v2sf);
	s14 =	smov.u32 @p6 s16  }
0x5f: {  	p2 =	sgt.f32 s18, s14;
	_ =	sdelay $0x1  }
0x60: {  	s16 =	smov.u32 @p6 s17;
	s17 =	simm.s32 @!p2 $0x0  }
0x61: {  	p0 =	sgt.f32 s18, s16;
	s17 =	simm.s32 @p2 $0x1  }
0x62: {  	s14 =	smov.u32 @p2 s18;
	[smem:$0x7FC] =	sst s17;
	s17 =	spop (v2sf)  }
0x63: {  	s14 =	smov.u32 @p0 s16;
	s19 =	spop (v2sf)  }
0x64: {  	s16 =	smov.u32 @p0 s18;
	p3 =	sgt.f32 s19, s14  }
0x65: {  	s18 =	simm.s32 $0x1;
	p2 =	sgt.f32 s19, s16  }
0x66: {  	s18 =	simm.s32 @!p6 $0x0;
	s20 =	simm.s32 @!p3 $0x0;
	s14 =	smov.u32 @p3 s19  }
0x67: {  	s29 =	sld [smem:$0x7FC];
	s20 =	simm.s32 @p3 $0x1;
	s14 =	smov.u32 @p2 s16  }
0x68: {  	s16 =	smov.u32 @p2 s19;
	p3 =	por !p6, !p6;
	s19 =	simm.s32 $0x1  }
0x69: {  	[smem:$0x7FD] =	sst s20;
	s20 =	spop (v2sf);
	p3 =	por !p5, !p3  }
0x6a: {  	p4 =	sgt.f32 s20, s14;
	p5 =	sgt.f32 s20, s16;
	p3 =	por !p3, !p3  }
0x6b: {  	s30 =	sld [smem:$0x7FD];
	s19 =	simm.s32 @!p3 $0x0;
	p3 =	seq.s32 s29, $0x1  }
0x6c: {  	s21 =	spop (v2sf);
	s14 =	smov.u32 @p4 s20;
	s19 =	simm.s32 @p3 $0x2  }
0x6d: {  	s14 =	smov.u32 @p5 s16;
	s16 =	smov.u32 @p5 s20;
	s19 =	smov.u32 @p0 s18  }
0x6e: {  	s18 =	simm.s32 @p0 $0x2;
	p0 =	seq.s32 s30, $0x1;
	p3 =	sgt.f32 s21, s14  }
0x6f: {  	p6 =	por p4, p4;
	p4 =	sgt.f32 s21, s16;
	s19 =	simm.s32 @p0 $0x3  }
0x70: {  	s20 =	smov.u32 s16;
	s19 =	smov.u32 @p2 s18;
	s14 =	smov.u32 @p3 s21  }
0x71: {  	s18 =	simm.s32 @p2 $0x3;
	s19 =	simm.s32 @p6 $0x4;
	s14 =	smov.u32 @p4 s16  }
0x72: {  	s20 =	smov.u32 @p4 s21;
	s19 =	smov.u32 @p5 s18;
	p0 =	sgt.f32 s17, s14  }
0x73: {  	s19 =	simm.s32 @p3 $0x5;
	p3 =	sgt.f32 s17, s20  }
0x74: {  	s18 =	simm.s32 @p5 $0x4;
	s14 =	smov.u32 @p0 s17  }
0x75: {  	s19 =	smov.u32 @p4 s18;
	s18 =	simm.s32 @p4 $0x5;
	s14 =	smov.u32 @p3 s20  }
0x76: {  	s19 =	simm.s32 @p0 $0x6;
	s20 =	smov.u32 @p3 s17;
	p2 =	sgt.f32 s15, s14  }
0x77: {  	v2 =	vmov s11;
	s11 =	smov.u32 s13;
	s19 =	smov.u32 @p3 s18;
	p0 =	sgt.f32 s15, s20  }
0x78: {  	s12 =	sadd.s32 $0x8, s12;
	s18 =	simm.s32 @p3 $0x6;
	s19 =	simm.s32 @p2 $0x7  }
0x79: {  	s11 =	smov.u32 @p1 s9;
	vm0 =	veq.s32 v2, v0;
	v2 =	vmov s12;
	s19 =	smov.u32 @p0 s18;
	s18 =	simm.s32 @p0 $0x7  }
0x7a: {  	s10 =	smov.u32 @p1 s13;
	v1 =	vsel vm0, s11, v1;
	vm13 =	veq.s32 v2, v0;
	s9 =	smov.u32 s20;
	v2 =	vmov s18;
	s31 =	sadd.s32 $0x8, s19  }
0x7b: {  	v1 =	vsel vm13, s10, v1;
	s14 =	smov.u32 @p2 s15;
	s9 =	smov.u32 @p0 s15;
	vm14 =	veq.s32 v2, v0;
	v2 =	vmov s31  }
0x7c: {  	s8 =	sadd.s32 $0x1, s8;
	s14 =	smov.u32 @p0 s20;
	v1 =	vsel vm14, s9, v1;
	vm15 =	veq.s32 v2, v0  }
0x7d: {  	p0 =	sne.s32 s8, s5;
	v1 =	vsel vm15, s14, v1  }
.Ltmp1:
0x7e: {  	[tilespmem:$0x2000] =	vst v1;
	(pc) =	sbr.rel @p0 .LBB2_1-.Ltmp1, $4  }
0x7f: {  	[hbm4b:s4+s2] =	stream.linear.scatter [tilespmem:s7], [sflag:$0x1], $0x80, $0x38;
	[tilespmem:$0x2080] =	vst v63  }
0x80: {  	_ =	swait.ge [sflag:s6], $0x80  }
0x81: {  	[sflag:s6] =	ssyncset.done $0x0  }
0x82: {  	[sflag:s6] =	ssyncadd.s32 $0xFFFFFF80  }
0x83: {  	_ =	sfence.sel $0x180000  }
0x84: {  	[bflag:$0x0] =	sbarrier.arrive $0xFFFF  }
0x85: {  	p0 =	sne.s32 s1, $0x0;
	_ =	strace $0x90000047  }
0x86: {  	s0 =	sadd.s32 @!p0 $0x100000, s0;
	[bflag:$0x2] =	sbarrier.arrive $0xFFFF  }
0x87: {  	[sflag:s0] =	ssyncadd.tile.s32 @!p0 $0x1;
	_ =	shalt  }
.Lfunc_end2:
_tile_overlayer_lowered:
.L_overlay_start_2:
0x88: {  	(tag) =	ssettag $0x2  }
0x89: {  	s0 =	rddreg [dreg:$0x0];
	s2 =	stileid.u32  }
0x8a: {  	s1 =	rddreg [dreg:$0x1];
	p0 =	sne.s32 s2, $0x0  }
0x8b: {  	s3 =	rddreg [dreg:$0x2];
	[bflag:$0x3] =	sbarrier.arrive $0xFFFF;
	s2 =	simm.s32 @!p0 $0x1C01  }
0x8c: {  	[timem:s3], [sflag:s2] =	dma.local @!p0 [hbm:s0], s1  }
0x8d: {  	s0 =	simm.s32 @!p0 $0x1  }
0x8e: {  	_ =	swait.ge @!p0 [sflag:s0], s1  }
0x8f: {  	s1 =	ssub.s32 @!p0 $0x0, s1;
	[sflag:s0] =	ssyncset.done @!p0 $0x0  }
0x90: {  	[sflag:s0] =	ssyncadd.s32 @!p0 s1  }
0x91: {  	[bflag:$0x3] =	sbarrier.arrive $0xFFFF  }
0x92: {  	_ =	shalt  }

</sc_bundles>
